<compile_context>
chip_gen: v7x
topology: tpu7x:2x2x1
jax: 0.10.2.dev20260603
libtpu: 0.0.44.dev20260713+nightly
codegen_flags: <defaults>
</compile_context>

<pallas_src>
import functools

import jax
import jax.numpy as jnp
from jax import lax
from jax.experimental import pallas as pl
from jax.experimental.pallas import tpu as pltpu
from jax.experimental.pallas import tpu_sc as plsc

_HB = 16


def _sc_onehot(B, W, N, T):
    info = plsc.get_sparse_core_info()
    NC, NS, L = info.num_cores, info.num_subcores, info.num_lanes
    NW = NC * NS
    QS = NW // B
    WQ = (W + QS - 1) // QS
    Wp = WQ * QS
    scale = float(W) / float(T)

    mesh = plsc.VectorSubcoreMesh(core_axis_name="c", subcore_axis_name="s")

    @functools.partial(
        pl.kernel,
        mesh=mesh,
        out_type=jax.ShapeDtypeStruct((B, Wp * N), jnp.float32),
        scratch_types=[
            pltpu.VMEM((N,), jnp.int32),
            pltpu.VMEM((WQ * N,), jnp.float32),
            pltpu.SemaphoreType.DMA,
        ],
        compiler_params=pltpu.CompilerParams(needs_layout_passes=False),
    )
    def k(fire_hbm, s_hbm, fw_v, s_v, sem):
        wid = lax.axis_index("s") * NC + lax.axis_index("c")
        b = wid // QS
        lo = (wid % QS) * WQ
        pltpu.sync_copy(fire_hbm.at[pl.ds(b * N, N)], fw_v)
        for v in range(N // L):
            f = fw_v[pl.ds(v * L, L)]
            w = (f.astype(jnp.float32) * scale).astype(jnp.int32)
            fw_v[pl.ds(v * L, L)] = jnp.clip(w, 0, W - 1)

        zero = jnp.zeros((L,), jnp.float32)

        def zrow(i, carry):
            s_v[pl.ds(i * L, L)] = zero
            return carry

        lax.fori_loop(0, WQ * N // L, zrow, 0)
        one = jnp.ones((L,), jnp.float32)
        for c in range(N // L):
            fv = fw_v[pl.ds(c * L, L)]
            rel = jnp.clip(fv - lo, 0, WQ - 1)
            idx = rel * N + (lax.iota(jnp.int32, L) + c * L)
            msk = (fv >= lo) & (fv < lo + WQ)
            plsc.store_scatter(s_v, [idx], one, mask=msk)
        pltpu.sync_copy(s_v, s_hbm.at[b, pl.ds(lo * N, WQ * N)])

    return k


def _tc_fused(B, H, W, D, N, P, DP, DM):

    def body(x_ref, s_ref, p_ref, wsw_ref, bsw_ref, wp_ref, bp_ref, o_ref):
        j = pl.program_id(1)

        @pl.when(j == 0)
        def _():
            pt = jnp.dot(p_ref[0].reshape(N * P, DP), wp_ref[...],
                         preferred_element_type=jnp.float32)
            o_ref[0, :, :P, :] = (pt + bp_ref[...]).reshape(N, P, DM)

        S_b = s_ref[0]
        bias = bsw_ref[...]
        for h in range(_HB):
            G = lax.dot_general(S_b, x_ref[0, h], (((0,), (1,)), ((), ())),
                                preferred_element_type=jnp.float32,
                                precision=lax.Precision.DEFAULT)
            R = jnp.dot(G, wsw_ref[...], preferred_element_type=jnp.float32,
                        precision=lax.Precision.DEFAULT)
            o_ref[0, :, P + j * _HB + h, :] = R + bias

    return pl.pallas_call(
        body,
        grid=(B, H // _HB),
        in_specs=[
            pl.BlockSpec((1, _HB, D, W), lambda b, j: (b, j, 0, 0)),
            pl.BlockSpec((1, W, N), lambda b, j: (b, 0, 0)),
            pl.BlockSpec((1, N, P, DP), lambda b, j: (b, 0, 0, 0)),
            pl.BlockSpec((D, DM), lambda b, j: (0, 0)),
            pl.BlockSpec((1, DM), lambda b, j: (0, 0)),
            pl.BlockSpec((DP, DM), lambda b, j: (0, 0)),
            pl.BlockSpec((1, DM), lambda b, j: (0, 0)),
        ],
        out_specs=pl.BlockSpec((1, N, P + H, DM), lambda b, j: (b, 0, 0, 0)),
        out_shape=jax.ShapeDtypeStruct((B, N, P + H, DM), jnp.float32),
        compiler_params=pltpu.CompilerParams(
            dimension_semantics=("arbitrary", "arbitrary"),
            vmem_limit_bytes=100 * 1024 * 1024,
        ),
    )


def kernel(fire_signal, swin_2d, fire_frames, pitch_tokens, W_pitch, b_pitch, W_sw, b_sw):
    B, H, W, D = swin_2d.shape
    T = fire_signal.shape[1]
    N = fire_frames.shape[1]
    P, DP = pitch_tokens.shape[2], pitch_tokens.shape[3]
    DM = W_pitch.shape[1]

    fire_flat = fire_frames.reshape(B * N)
    sel = _sc_onehot(B, W, N, T)(fire_flat)[:, : W * N]
    sel = sel.reshape(B, W, N).astype(jnp.bfloat16)
    swin_t = jnp.transpose(swin_2d, (0, 1, 3, 2))

    return _tc_fused(B, H, W, D, N, P, DP, DM)(
        swin_t,
        sel,
        pitch_tokens,
        W_sw.astype(jnp.bfloat16),
        b_sw.reshape(1, DM),
        W_pitch,
        b_pitch.reshape(1, DM),
    )

# --- scband reference (transcript-rebuilt; emitter-appended) ---
"""Pipeline reference for scband-cifmodule-70188355551472 (READ-ONLY COPY).

The authoritative reference and input builder live on the scoring server;
editing this copy changes nothing except your own understanding.
"""

import jax, jax.numpy as jnp
import numpy as np

B, T_FIRE, FD = 8, 3000, 32
H_FREQ, W_TIME, D_SW = 64, 375, 192
N_FIRES, P_PITCH, D_PITCH, D_MODEL = 128, 16, 32, 256


def setup_inputs(seed: int = 0) -> dict:
    key = jax.random.key(seed)
    ks = jax.random.split(key, 8)
    fire_signal = jax.random.normal(ks[0], (B, T_FIRE, FD), dtype=jnp.float32)
    swin_2d = jax.random.normal(ks[1], (B, H_FREQ, W_TIME, D_SW), dtype=jnp.float32)
    fire_frames = jnp.sort(jax.random.randint(ks[2], (B, N_FIRES), 0, T_FIRE, dtype=jnp.int32), axis=1)
    pitch_tokens = jax.random.normal(ks[3], (B, N_FIRES, P_PITCH, D_PITCH), dtype=jnp.float32)
    # learned params: pitch_proj (Linear d_pitch->d_model), swin_proj (Linear d_sw->d_model)
    W_pitch = jax.random.normal(ks[4], (D_PITCH, D_MODEL), dtype=jnp.float32) / np.sqrt(D_PITCH)
    b_pitch = jnp.zeros((D_MODEL,), dtype=jnp.float32)
    W_sw = jax.random.normal(ks[5], (D_SW, D_MODEL), dtype=jnp.float32) / np.sqrt(D_SW)
    b_sw = jnp.zeros((D_MODEL,), dtype=jnp.float32)
    return {
        "fire_signal": fire_signal,
        "swin_2d": swin_2d,
        "fire_frames": fire_frames,
        "pitch_tokens": pitch_tokens,
        "W_pitch": W_pitch,
        "b_pitch": b_pitch,
        "W_sw": W_sw,
        "b_sw": b_sw,
    }


def reference(fire_signal, swin_2d, fire_frames, pitch_tokens, W_pitch, b_pitch, W_sw, b_sw):
    # CIFModule.forward: assemble acoustic token sequences
    T_fire = fire_signal.shape[1]
    W_time = swin_2d.shape[2]
    # fire_w = (fire_frames.float() * W_time / T_fire).long().clamp(0, W_time - 1)
    fire_w = (fire_frames.astype(jnp.float32) * float(W_time) / float(T_fire)).astype(jnp.int32)
    fire_w = jnp.clip(fire_w, 0, W_time - 1)
    # gather swin freq slices at fire time positions: out[b,h,n,d] = swin_2d[b,h,fire_w[b,n],d]
    gathered = jnp.take_along_axis(swin_2d, fire_w[:, None, :, None], axis=2)  # [B, H, N, D_sw]
    swin_at_fires = jnp.transpose(gathered, (0, 2, 1, 3))  # [B, N, H, D_sw]
    swin_tokens = swin_at_fires @ W_sw + b_sw  # [B, N, H, d_model]
    pitch_toks = pitch_tokens @ W_pitch + b_pitch  # [B, N, P, d_model]
    return jnp.concatenate([pitch_toks, swin_tokens], axis=2)  # [B, N, P+H, d_model]

if __name__ == "__main__":
    import jax
    _d = setup_inputs()
    print(jax.jit(kernel)(*tuple(_d.values())))

</pallas_src>

<mosaic_0001>
#map = affine_map<(d0, d1) -> (0)>
#map1 = affine_map<(d0, d1) -> (0, 0)>
module attributes {stable_mosaic.version = 14 : i64} {
  func.func @k(%arg0: i32, %arg1: i32, %arg2: memref<1024xi32, #tpu.memory_space<hbm>>, %arg3: memref<8x48128xf32, #tpu.memory_space<hbm>>, %arg4: memref<128xi32, #tpu.memory_space<vmem>>, %arg5: memref<12032xf32, #tpu.memory_space<vmem>>, %arg6: memref<!tpu.dma_semaphore, #tpu.memory_space<semaphore_mem>>) attributes {dimension_semantics = [#tpu.dimension_semantics<core_parallel>, #tpu.dimension_semantics<subcore_parallel>], iteration_bounds = array<i64: 2, 16>, scalar_prefetch = 0 : i64, scratch_operands = 3 : i64, tpu.core_type = #tpu.core_type<sc_vector_subcore>, window_params = [{transform_indices = #map}, {transform_indices = #map1}]} {
    %mul3A = arith.constant 2 : i32
    %mul3A_0 = arith.muli %arg1, %mul3A : i32
    %add3A = arith.addi %mul3A_0, %arg0 : i32
    %jit3A = arith.constant 4 : i32
    %div3A = arith.divsi %add3A, %jit3A : i32
    %sign3A = arith.constant 0 : i32
    %sign3A_1 = arith.cmpi sgt, %add3A, %sign3A : i32
    %sign3A_2 = arith.extui %sign3A_1 : i1 to i32
    %sign3A_3 = arith.constant 0 : i32
    %sign3A_4 = arith.cmpi slt, %add3A, %sign3A_3 : i32
    %sign3A_5 = arith.extui %sign3A_4 : i1 to i32
    %sign3A_6 = arith.subi %sign3A_2, %sign3A_5 : i32
    %sign3A_7 = arith.constant 0 : i32
    %sign3A_8 = arith.cmpi sgt, %jit3A, %sign3A_7 : i32
    %sign3A_9 = arith.extui %sign3A_8 : i1 to i32
    %sign3A_10 = arith.constant 0 : i32
    %sign3A_11 = arith.cmpi slt, %jit3A, %sign3A_10 : i32
    %sign3A_12 = arith.extui %sign3A_11 : i1 to i32
    %sign3A_13 = arith.subi %sign3A_9, %sign3A_12 : i32
    %ne3A = arith.cmpi ne, %sign3A_6, %sign3A_13 : i32
    %rem3A = arith.remsi %add3A, %jit3A : i32
    %ne3A_14 = arith.constant 0 : i32
    %ne3A_15 = arith.cmpi ne, %rem3A, %ne3A_14 : i32
    %and3A = arith.andi %ne3A, %ne3A_15 : i1
    %sub3A = arith.constant 1 : i32
    %sub3A_16 = arith.subi %div3A, %sub3A : i32
    %select_n3A = arith.select %and3A, %sub3A_16, %div3A : i32
    %jit3A_17 = arith.constant 4 : i32
    %eq3A = arith.constant 0 : i32
    %eq3A_18 = arith.cmpi eq, %jit3A_17, %eq3A : i32
    %jit3A_19 = arith.constant 1 : i32
    %select_n3A_20 = arith.select %eq3A_18, %jit3A_19, %jit3A_17 : i32
    %rem3A_21 = arith.remsi %add3A, %select_n3A_20 : i32
    %ne3A_22 = arith.constant 0 : i32
    %ne3A_23 = arith.cmpi ne, %rem3A_21, %ne3A_22 : i32
    %lt3A = arith.constant 0 : i32
    %lt3A_24 = arith.cmpi slt, %rem3A_21, %lt3A : i32
    %lt3A_25 = arith.constant 0 : i32
    %lt3A_26 = arith.cmpi slt, %select_n3A_20, %lt3A_25 : i32
    %ne3A_27 = arith.xori %lt3A_24, %lt3A_26 : i1
    %and3A_28 = arith.andi %ne3A_27, %ne3A_23 : i1
    %add3A_29 = arith.addi %rem3A_21, %select_n3A_20 : i32
    %select_n3A_30 = arith.select %and3A_28, %add3A_29, %rem3A_21 : i32
    %mul3A_31 = arith.constant 94 : i32
    %mul3A_32 = arith.muli %select_n3A_30, %mul3A_31 : i32
    %mul3A_33 = arith.constant 128 : i32
    %mul3A_34 = arith.muli %select_n3A, %mul3A_33 : i32
    "tpu.region"() ({
      %run_scoped3A = tpu.sem_alloc : memref<!tpu.dma_semaphore, #tpu.memory_space<semaphore_mem>>
      %dma_start3A = tpu.memref_slice %arg2[%mul3A_34] : memref<1024xi32, #tpu.memory_space<hbm>> -> memref<128xi32, #tpu.memory_space<hbm>>
      %dma_start3A_358 = tpu.memref_slice %arg2[%mul3A_34] : memref<1024xi32, #tpu.memory_space<hbm>> -> memref<128xi32, #tpu.memory_space<hbm>>
      tpu.enqueue_dma source(%dma_start3A_358 : memref<128xi32, #tpu.memory_space<hbm>>) target(%arg4 : memref<128xi32, #tpu.memory_space<vmem>>) target_semaphore(%run_scoped3A : memref<!tpu.dma_semaphore, #tpu.memory_space<semaphore_mem>>)
      %dma_wait3A = tpu.memref_slice %arg2[%mul3A_34] : memref<1024xi32, #tpu.memory_space<hbm>> -> memref<128xi32, #tpu.memory_space<hbm>>
      %dma_wait3A_359 = tpu.memref_slice %arg2[%mul3A_34] : memref<1024xi32, #tpu.memory_space<hbm>> -> memref<128xi32, #tpu.memory_space<hbm>>
      tpu.wait_dma2 semaphore(%run_scoped3A : memref<!tpu.dma_semaphore, #tpu.memory_space<semaphore_mem>>) src(%dma_wait3A_359 : memref<128xi32, #tpu.memory_space<hbm>>) dst(%arg4 : memref<128xi32, #tpu.memory_space<vmem>>)
      tpu.yield
    }) : () -> ()
    %get3A = arith.constant 0 : index
    %get3A_35 = tpu.vector_load %arg4[%get3A] {strides = array<i32>} : memref<128xi32, #tpu.memory_space<vmem>>, vector<16xi32>,
    %convert_element_type3A = arith.sitofp %get3A_35 : vector<16xi32> to vector<16xf32>
    %mul3A_36 = arith.constant 1.250000e-01 : f32
    %mul3A_37 = vector.broadcast %mul3A_36 : f32 to vector<16xf32>
    %mul3A_38 = arith.mulf %convert_element_type3A, %mul3A_37 : vector<16xf32>
    %convert_element_type3A_39 = arith.fptosi %mul3A_38 : vector<16xf32> to vector<16xi32>
    %jit3A_40 = arith.constant 0 : i32
    %jit3A_41 = arith.constant 374 : i32
    %max3A = vector.broadcast %jit3A_40 : i32 to vector<16xi32>
    %max3A_42 = arith.maxsi %max3A, %convert_element_type3A_39 : vector<16xi32>
    %min3A = vector.broadcast %jit3A_41 : i32 to vector<16xi32>
    %min3A_43 = arith.minsi %min3A, %max3A_42 : vector<16xi32>
    %swap3A = arith.constant 0 : index
    %swap3A_44 = tpu.vector_load %arg4[%swap3A] {strides = array<i32>} : memref<128xi32, #tpu.memory_space<vmem>>, vector<16xi32>,
    tpu.vector_store %arg4[%swap3A], %min3A_43 {strides = array<i32>} : memref<128xi32, #tpu.memory_space<vmem>>, vector<16xi32>,
    %get3A_45 = arith.constant 16 : index
    %get3A_46 = tpu.vector_load %arg4[%get3A_45] {strides = array<i32>} : memref<128xi32, #tpu.memory_space<vmem>>, vector<16xi32>,
    %convert_element_type3A_47 = arith.sitofp %get3A_46 : vector<16xi32> to vector<16xf32>
    %mul3A_48 = arith.constant 1.250000e-01 : f32
    %mul3A_49 = vector.broadcast %mul3A_48 : f32 to vector<16xf32>
    %mul3A_50 = arith.mulf %convert_element_type3A_47, %mul3A_49 : vector<16xf32>
    %convert_element_type3A_51 = arith.fptosi %mul3A_50 : vector<16xf32> to vector<16xi32>
    %jit3A_52 = arith.constant 0 : i32
    %jit3A_53 = arith.constant 374 : i32
    %max3A_54 = vector.broadcast %jit3A_52 : i32 to vector<16xi32>
    %max3A_55 = arith.maxsi %max3A_54, %convert_element_type3A_51 : vector<16xi32>
    %min3A_56 = vector.broadcast %jit3A_53 : i32 to vector<16xi32>
    %min3A_57 = arith.minsi %min3A_56, %max3A_55 : vector<16xi32>
    %swap3A_58 = arith.constant 16 : index
    %swap3A_59 = tpu.vector_load %arg4[%swap3A_58] {strides = array<i32>} : memref<128xi32, #tpu.memory_space<vmem>>, vector<16xi32>,
    tpu.vector_store %arg4[%swap3A_58], %min3A_57 {strides = array<i32>} : memref<128xi32, #tpu.memory_space<vmem>>, vector<16xi32>,
    %get3A_60 = arith.constant 32 : index
    %get3A_61 = tpu.vector_load %arg4[%get3A_60] {strides = array<i32>} : memref<128xi32, #tpu.memory_space<vmem>>, vector<16xi32>,
    %convert_element_type3A_62 = arith.sitofp %get3A_61 : vector<16xi32> to vector<16xf32>
    %mul3A_63 = arith.constant 1.250000e-01 : f32
    %mul3A_64 = vector.broadcast %mul3A_63 : f32 to vector<16xf32>
    %mul3A_65 = arith.mulf %convert_element_type3A_62, %mul3A_64 : vector<16xf32>
    %convert_element_type3A_66 = arith.fptosi %mul3A_65 : vector<16xf32> to vector<16xi32>
    %jit3A_67 = arith.constant 0 : i32
    %jit3A_68 = arith.constant 374 : i32
    %max3A_69 = vector.broadcast %jit3A_67 : i32 to vector<16xi32>
    %max3A_70 = arith.maxsi %max3A_69, %convert_element_type3A_66 : vector<16xi32>
    %min3A_71 = vector.broadcast %jit3A_68 : i32 to vector<16xi32>
    %min3A_72 = arith.minsi %min3A_71, %max3A_70 : vector<16xi32>
    %swap3A_73 = arith.constant 32 : index
    %swap3A_74 = tpu.vector_load %arg4[%swap3A_73] {strides = array<i32>} : memref<128xi32, #tpu.memory_space<vmem>>, vector<16xi32>,
    tpu.vector_store %arg4[%swap3A_73], %min3A_72 {strides = array<i32>} : memref<128xi32, #tpu.memory_space<vmem>>, vector<16xi32>,
    %get3A_75 = arith.constant 48 : index
    %get3A_76 = tpu.vector_load %arg4[%get3A_75] {strides = array<i32>} : memref<128xi32, #tpu.memory_space<vmem>>, vector<16xi32>,
    %convert_element_type3A_77 = arith.sitofp %get3A_76 : vector<16xi32> to vector<16xf32>
    %mul3A_78 = arith.constant 1.250000e-01 : f32
    %mul3A_79 = vector.broadcast %mul3A_78 : f32 to vector<16xf32>
    %mul3A_80 = arith.mulf %convert_element_type3A_77, %mul3A_79 : vector<16xf32>
    %convert_element_type3A_81 = arith.fptosi %mul3A_80 : vector<16xf32> to vector<16xi32>
    %jit3A_82 = arith.constant 0 : i32
    %jit3A_83 = arith.constant 374 : i32
    %max3A_84 = vector.broadcast %jit3A_82 : i32 to vector<16xi32>
    %max3A_85 = arith.maxsi %max3A_84, %convert_element_type3A_81 : vector<16xi32>
    %min3A_86 = vector.broadcast %jit3A_83 : i32 to vector<16xi32>
    %min3A_87 = arith.minsi %min3A_86, %max3A_85 : vector<16xi32>
    %swap3A_88 = arith.constant 48 : index
    %swap3A_89 = tpu.vector_load %arg4[%swap3A_88] {strides = array<i32>} : memref<128xi32, #tpu.memory_space<vmem>>, vector<16xi32>,
    tpu.vector_store %arg4[%swap3A_88], %min3A_87 {strides = array<i32>} : memref<128xi32, #tpu.memory_space<vmem>>, vector<16xi32>,
    %get3A_90 = arith.constant 64 : index
    %get3A_91 = tpu.vector_load %arg4[%get3A_90] {strides = array<i32>} : memref<128xi32, #tpu.memory_space<vmem>>, vector<16xi32>,
    %convert_element_type3A_92 = arith.sitofp %get3A_91 : vector<16xi32> to vector<16xf32>
    %mul3A_93 = arith.constant 1.250000e-01 : f32
    %mul3A_94 = vector.broadcast %mul3A_93 : f32 to vector<16xf32>
    %mul3A_95 = arith.mulf %convert_element_type3A_92, %mul3A_94 : vector<16xf32>
    %convert_element_type3A_96 = arith.fptosi %mul3A_95 : vector<16xf32> to vector<16xi32>
    %jit3A_97 = arith.constant 0 : i32
    %jit3A_98 = arith.constant 374 : i32
    %max3A_99 = vector.broadcast %jit3A_97 : i32 to vector<16xi32>
    %max3A_100 = arith.maxsi %max3A_99, %convert_element_type3A_96 : vector<16xi32>
    %min3A_101 = vector.broadcast %jit3A_98 : i32 to vector<16xi32>
    %min3A_102 = arith.minsi %min3A_101, %max3A_100 : vector<16xi32>
    %swap3A_103 = arith.constant 64 : index
    %swap3A_104 = tpu.vector_load %arg4[%swap3A_103] {strides = array<i32>} : memref<128xi32, #tpu.memory_space<vmem>>, vector<16xi32>,
    tpu.vector_store %arg4[%swap3A_103], %min3A_102 {strides = array<i32>} : memref<128xi32, #tpu.memory_space<vmem>>, vector<16xi32>,
    %get3A_105 = arith.constant 80 : index
    %get3A_106 = tpu.vector_load %arg4[%get3A_105] {strides = array<i32>} : memref<128xi32, #tpu.memory_space<vmem>>, vector<16xi32>,
    %convert_element_type3A_107 = arith.sitofp %get3A_106 : vector<16xi32> to vector<16xf32>
    %mul3A_108 = arith.constant 1.250000e-01 : f32
    %mul3A_109 = vector.broadcast %mul3A_108 : f32 to vector<16xf32>
    %mul3A_110 = arith.mulf %convert_element_type3A_107, %mul3A_109 : vector<16xf32>
    %convert_element_type3A_111 = arith.fptosi %mul3A_110 : vector<16xf32> to vector<16xi32>
    %jit3A_112 = arith.constant 0 : i32
    %jit3A_113 = arith.constant 374 : i32
    %max3A_114 = vector.broadcast %jit3A_112 : i32 to vector<16xi32>
    %max3A_115 = arith.maxsi %max3A_114, %convert_element_type3A_111 : vector<16xi32>
    %min3A_116 = vector.broadcast %jit3A_113 : i32 to vector<16xi32>
    %min3A_117 = arith.minsi %min3A_116, %max3A_115 : vector<16xi32>
    %swap3A_118 = arith.constant 80 : index
    %swap3A_119 = tpu.vector_load %arg4[%swap3A_118] {strides = array<i32>} : memref<128xi32, #tpu.memory_space<vmem>>, vector<16xi32>,
    tpu.vector_store %arg4[%swap3A_118], %min3A_117 {strides = array<i32>} : memref<128xi32, #tpu.memory_space<vmem>>, vector<16xi32>,
    %get3A_120 = arith.constant 96 : index
    %get3A_121 = tpu.vector_load %arg4[%get3A_120] {strides = array<i32>} : memref<128xi32, #tpu.memory_space<vmem>>, vector<16xi32>,
    %convert_element_type3A_122 = arith.sitofp %get3A_121 : vector<16xi32> to vector<16xf32>
    %mul3A_123 = arith.constant 1.250000e-01 : f32
    %mul3A_124 = vector.broadcast %mul3A_123 : f32 to vector<16xf32>
    %mul3A_125 = arith.mulf %convert_element_type3A_122, %mul3A_124 : vector<16xf32>
    %convert_element_type3A_126 = arith.fptosi %mul3A_125 : vector<16xf32> to vector<16xi32>
    %jit3A_127 = arith.constant 0 : i32
    %jit3A_128 = arith.constant 374 : i32
    %max3A_129 = vector.broadcast %jit3A_127 : i32 to vector<16xi32>
    %max3A_130 = arith.maxsi %max3A_129, %convert_element_type3A_126 : vector<16xi32>
    %min3A_131 = vector.broadcast %jit3A_128 : i32 to vector<16xi32>
    %min3A_132 = arith.minsi %min3A_131, %max3A_130 : vector<16xi32>
    %swap3A_133 = arith.constant 96 : index
    %swap3A_134 = tpu.vector_load %arg4[%swap3A_133] {strides = array<i32>} : memref<128xi32, #tpu.memory_space<vmem>>, vector<16xi32>,
    tpu.vector_store %arg4[%swap3A_133], %min3A_132 {strides = array<i32>} : memref<128xi32, #tpu.memory_space<vmem>>, vector<16xi32>,
    %get3A_135 = arith.constant 112 : index
    %get3A_136 = tpu.vector_load %arg4[%get3A_135] {strides = array<i32>} : memref<128xi32, #tpu.memory_space<vmem>>, vector<16xi32>,
    %convert_element_type3A_137 = arith.sitofp %get3A_136 : vector<16xi32> to vector<16xf32>
    %mul3A_138 = arith.constant 1.250000e-01 : f32
    %mul3A_139 = vector.broadcast %mul3A_138 : f32 to vector<16xf32>
    %mul3A_140 = arith.mulf %convert_element_type3A_137, %mul3A_139 : vector<16xf32>
    %convert_element_type3A_141 = arith.fptosi %mul3A_140 : vector<16xf32> to vector<16xi32>
    %jit3A_142 = arith.constant 0 : i32
    %jit3A_143 = arith.constant 374 : i32
    %max3A_144 = vector.broadcast %jit3A_142 : i32 to vector<16xi32>
    %max3A_145 = arith.maxsi %max3A_144, %convert_element_type3A_141 : vector<16xi32>
    %min3A_146 = vector.broadcast %jit3A_143 : i32 to vector<16xi32>
    %min3A_147 = arith.minsi %min3A_146, %max3A_145 : vector<16xi32>
    %swap3A_148 = arith.constant 112 : index
    %swap3A_149 = tpu.vector_load %arg4[%swap3A_148] {strides = array<i32>} : memref<128xi32, #tpu.memory_space<vmem>>, vector<16xi32>,
    tpu.vector_store %arg4[%swap3A_148], %min3A_147 {strides = array<i32>} : memref<128xi32, #tpu.memory_space<vmem>>, vector<16xi32>,
    %broadcast_in_dim3A = arith.constant 0.000000e+00 : f32
    %broadcast_in_dim3A_150 = vector.broadcast %broadcast_in_dim3A : f32 to vector<16xf32>
    %scan3A = arith.constant 0 : i32
    %scan3A_151 = arith.constant 0 : i32
    %scan3A_152 = arith.constant 752 : i32
    %scan3A_153 = arith.addi %scan3A_151, %scan3A_152 : i32
    %scan3A_154 = arith.constant 1 : i32
    scf.for %scan3A_358 = %scan3A_151 to %scan3A_153 step %scan3A_154  : i32 {
      %mul3A_359 = arith.constant 16 : i32
      %mul3A_360 = arith.muli %scan3A_358, %mul3A_359 : i32
      %swap3A_361 = arith.index_cast %mul3A_360 : i32 to index
      %swap3A_362 = tpu.vector_load %arg5[%swap3A_361] {strides = array<i32>} : memref<12032xf32, #tpu.memory_space<vmem>>, vector<16xf32>,
      tpu.vector_store %arg5[%swap3A_361], %broadcast_in_dim3A_150 {strides = array<i32>} : memref<12032xf32, #tpu.memory_space<vmem>>, vector<16xf32>,
    }
    %scan3A_155 = arith.constant 752 : i32
    %broadcast_in_dim3A_156 = arith.constant 1.000000e+00 : f32
    %broadcast_in_dim3A_157 = vector.broadcast %broadcast_in_dim3A_156 : f32 to vector<16xf32>
    %get3A_158 = arith.constant 0 : index
    %get3A_159 = tpu.vector_load %arg4[%get3A_158] {strides = array<i32>} : memref<128xi32, #tpu.memory_space<vmem>>, vector<16xi32>,
    %sub3A_160 = vector.broadcast %mul3A_32 : i32 to vector<16xi32>
    %sub3A_161 = arith.subi %get3A_159, %sub3A_160 : vector<16xi32>
    %jit3A_162 = arith.constant 0 : i32
    %jit3A_163 = arith.constant 93 : i32
    %max3A_164 = vector.broadcast %jit3A_162 : i32 to vector<16xi32>
    %max3A_165 = arith.maxsi %max3A_164, %sub3A_161 : vector<16xi32>
    %min3A_166 = vector.broadcast %jit3A_163 : i32 to vector<16xi32>
    %min3A_167 = arith.minsi %min3A_166, %max3A_165 : vector<16xi32>
    %mul3A_168 = arith.constant 128 : i32
    %mul3A_169 = vector.broadcast %mul3A_168 : i32 to vector<16xi32>
    %mul3A_170 = arith.muli %min3A_167, %mul3A_169 : vector<16xi32>
    %iota3A = tpu.iota {dimensions = array<i32: 0>} : vector<16xi32>
    %add3A_171 = arith.constant 0 : i32
    %add3A_172 = vector.broadcast %add3A_171 : i32 to vector<16xi32>
    %add3A_173 = arith.addi %iota3A, %add3A_172 : vector<16xi32>
    %add3A_174 = arith.addi %mul3A_170, %add3A_173 : vector<16xi32>
    %ge3A = vector.broadcast %mul3A_32 : i32 to vector<16xi32>
    %ge3A_175 = arith.cmpi sge, %get3A_159, %ge3A : vector<16xi32>
    %add3A_176 = arith.constant 94 : i32
    %add3A_177 = arith.addi %mul3A_32, %add3A_176 : i32
    %lt3A_178 = vector.broadcast %add3A_177 : i32 to vector<16xi32>
    %lt3A_179 = arith.cmpi slt, %get3A_159, %lt3A_178 : vector<16xi32>
    %and3A_180 = arith.andi %ge3A_175, %lt3A_179 : vector<16xi1>
    tpu.vector_store_idx %arg5[%add3A_174], %broadcast_in_dim3A_157 masked %and3A_180 : memref<12032xf32, #tpu.memory_space<vmem>>[vector<16xi32>], vector<16xf32>, vector<16xi1>
    %get3A_181 = arith.constant 16 : index
    %get3A_182 = tpu.vector_load %arg4[%get3A_181] {strides = array<i32>} : memref<128xi32, #tpu.memory_space<vmem>>, vector<16xi32>,
    %sub3A_183 = vector.broadcast %mul3A_32 : i32 to vector<16xi32>
    %sub3A_184 = arith.subi %get3A_182, %sub3A_183 : vector<16xi32>
    %jit3A_185 = arith.constant 0 : i32
    %jit3A_186 = arith.constant 93 : i32
    %max3A_187 = vector.broadcast %jit3A_185 : i32 to vector<16xi32>
    %max3A_188 = arith.maxsi %max3A_187, %sub3A_184 : vector<16xi32>
    %min3A_189 = vector.broadcast %jit3A_186 : i32 to vector<16xi32>
    %min3A_190 = arith.minsi %min3A_189, %max3A_188 : vector<16xi32>
    %mul3A_191 = arith.constant 128 : i32
    %mul3A_192 = vector.broadcast %mul3A_191 : i32 to vector<16xi32>
    %mul3A_193 = arith.muli %min3A_190, %mul3A_192 : vector<16xi32>
    %iota3A_194 = tpu.iota {dimensions = array<i32: 0>} : vector<16xi32>
    %add3A_195 = arith.constant 16 : i32
    %add3A_196 = vector.broadcast %add3A_195 : i32 to vector<16xi32>
    %add3A_197 = arith.addi %iota3A_194, %add3A_196 : vector<16xi32>
    %add3A_198 = arith.addi %mul3A_193, %add3A_197 : vector<16xi32>
    %ge3A_199 = vector.broadcast %mul3A_32 : i32 to vector<16xi32>
    %ge3A_200 = arith.cmpi sge, %get3A_182, %ge3A_199 : vector<16xi32>
    %add3A_201 = arith.constant 94 : i32
    %add3A_202 = arith.addi %mul3A_32, %add3A_201 : i32
    %lt3A_203 = vector.broadcast %add3A_202 : i32 to vector<16xi32>
    %lt3A_204 = arith.cmpi slt, %get3A_182, %lt3A_203 : vector<16xi32>
    %and3A_205 = arith.andi %ge3A_200, %lt3A_204 : vector<16xi1>
    tpu.vector_store_idx %arg5[%add3A_198], %broadcast_in_dim3A_157 masked %and3A_205 : memref<12032xf32, #tpu.memory_space<vmem>>[vector<16xi32>], vector<16xf32>, vector<16xi1>
    %get3A_206 = arith.constant 32 : index
    %get3A_207 = tpu.vector_load %arg4[%get3A_206] {strides = array<i32>} : memref<128xi32, #tpu.memory_space<vmem>>, vector<16xi32>,
    %sub3A_208 = vector.broadcast %mul3A_32 : i32 to vector<16xi32>
    %sub3A_209 = arith.subi %get3A_207, %sub3A_208 : vector<16xi32>
    %jit3A_210 = arith.constant 0 : i32
    %jit3A_211 = arith.constant 93 : i32
    %max3A_212 = vector.broadcast %jit3A_210 : i32 to vector<16xi32>
    %max3A_213 = arith.maxsi %max3A_212, %sub3A_209 : vector<16xi32>
    %min3A_214 = vector.broadcast %jit3A_211 : i32 to vector<16xi32>
    %min3A_215 = arith.minsi %min3A_214, %max3A_213 : vector<16xi32>
    %mul3A_216 = arith.constant 128 : i32
    %mul3A_217 = vector.broadcast %mul3A_216 : i32 to vector<16xi32>
    %mul3A_218 = arith.muli %min3A_215, %mul3A_217 : vector<16xi32>
    %iota3A_219 = tpu.iota {dimensions = array<i32: 0>} : vector<16xi32>
    %add3A_220 = arith.constant 32 : i32
    %add3A_221 = vector.broadcast %add3A_220 : i32 to vector<16xi32>
    %add3A_222 = arith.addi %iota3A_219, %add3A_221 : vector<16xi32>
    %add3A_223 = arith.addi %mul3A_218, %add3A_222 : vector<16xi32>
    %ge3A_224 = vector.broadcast %mul3A_32 : i32 to vector<16xi32>
    %ge3A_225 = arith.cmpi sge, %get3A_207, %ge3A_224 : vector<16xi32>
    %add3A_226 = arith.constant 94 : i32
    %add3A_227 = arith.addi %mul3A_32, %add3A_226 : i32
    %lt3A_228 = vector.broadcast %add3A_227 : i32 to vector<16xi32>
    %lt3A_229 = arith.cmpi slt, %get3A_207, %lt3A_228 : vector<16xi32>
    %and3A_230 = arith.andi %ge3A_225, %lt3A_229 : vector<16xi1>
    tpu.vector_store_idx %arg5[%add3A_223], %broadcast_in_dim3A_157 masked %and3A_230 : memref<12032xf32, #tpu.memory_space<vmem>>[vector<16xi32>], vector<16xf32>, vector<16xi1>
    %get3A_231 = arith.constant 48 : index
    %get3A_232 = tpu.vector_load %arg4[%get3A_231] {strides = array<i32>} : memref<128xi32, #tpu.memory_space<vmem>>, vector<16xi32>,
    %sub3A_233 = vector.broadcast %mul3A_32 : i32 to vector<16xi32>
    %sub3A_234 = arith.subi %get3A_232, %sub3A_233 : vector<16xi32>
    %jit3A_235 = arith.constant 0 : i32
    %jit3A_236 = arith.constant 93 : i32
    %max3A_237 = vector.broadcast %jit3A_235 : i32 to vector<16xi32>
    %max3A_238 = arith.maxsi %max3A_237, %sub3A_234 : vector<16xi32>
    %min3A_239 = vector.broadcast %jit3A_236 : i32 to vector<16xi32>
    %min3A_240 = arith.minsi %min3A_239, %max3A_238 : vector<16xi32>
    %mul3A_241 = arith.constant 128 : i32
    %mul3A_242 = vector.broadcast %mul3A_241 : i32 to vector<16xi32>
    %mul3A_243 = arith.muli %min3A_240, %mul3A_242 : vector<16xi32>
    %iota3A_244 = tpu.iota {dimensions = array<i32: 0>} : vector<16xi32>
    %add3A_245 = arith.constant 48 : i32
    %add3A_246 = vector.broadcast %add3A_245 : i32 to vector<16xi32>
    %add3A_247 = arith.addi %iota3A_244, %add3A_246 : vector<16xi32>
    %add3A_248 = arith.addi %mul3A_243, %add3A_247 : vector<16xi32>
    %ge3A_249 = vector.broadcast %mul3A_32 : i32 to vector<16xi32>
    %ge3A_250 = arith.cmpi sge, %get3A_232, %ge3A_249 : vector<16xi32>
    %add3A_251 = arith.constant 94 : i32
    %add3A_252 = arith.addi %mul3A_32, %add3A_251 : i32
    %lt3A_253 = vector.broadcast %add3A_252 : i32 to vector<16xi32>
    %lt3A_254 = arith.cmpi slt, %get3A_232, %lt3A_253 : vector<16xi32>
    %and3A_255 = arith.andi %ge3A_250, %lt3A_254 : vector<16xi1>
    tpu.vector_store_idx %arg5[%add3A_248], %broadcast_in_dim3A_157 masked %and3A_255 : memref<12032xf32, #tpu.memory_space<vmem>>[vector<16xi32>], vector<16xf32>, vector<16xi1>
    %get3A_256 = arith.constant 64 : index
    %get3A_257 = tpu.vector_load %arg4[%get3A_256] {strides = array<i32>} : memref<128xi32, #tpu.memory_space<vmem>>, vector<16xi32>,
    %sub3A_258 = vector.broadcast %mul3A_32 : i32 to vector<16xi32>
    %sub3A_259 = arith.subi %get3A_257, %sub3A_258 : vector<16xi32>
    %jit3A_260 = arith.constant 0 : i32
    %jit3A_261 = arith.constant 93 : i32
    %max3A_262 = vector.broadcast %jit3A_260 : i32 to vector<16xi32>
    %max3A_263 = arith.maxsi %max3A_262, %sub3A_259 : vector<16xi32>
    %min3A_264 = vector.broadcast %jit3A_261 : i32 to vector<16xi32>
    %min3A_265 = arith.minsi %min3A_264, %max3A_263 : vector<16xi32>
    %mul3A_266 = arith.constant 128 : i32
    %mul3A_267 = vector.broadcast %mul3A_266 : i32 to vector<16xi32>
    %mul3A_268 = arith.muli %min3A_265, %mul3A_267 : vector<16xi32>
    %iota3A_269 = tpu.iota {dimensions = array<i32: 0>} : vector<16xi32>
    %add3A_270 = arith.constant 64 : i32
    %add3A_271 = vector.broadcast %add3A_270 : i32 to vector<16xi32>
    %add3A_272 = arith.addi %iota3A_269, %add3A_271 : vector<16xi32>
    %add3A_273 = arith.addi %mul3A_268, %add3A_272 : vector<16xi32>
    %ge3A_274 = vector.broadcast %mul3A_32 : i32 to vector<16xi32>
    %ge3A_275 = arith.cmpi sge, %get3A_257, %ge3A_274 : vector<16xi32>
    %add3A_276 = arith.constant 94 : i32
    %add3A_277 = arith.addi %mul3A_32, %add3A_276 : i32
    %lt3A_278 = vector.broadcast %add3A_277 : i32 to vector<16xi32>
    %lt3A_279 = arith.cmpi slt, %get3A_257, %lt3A_278 : vector<16xi32>
    %and3A_280 = arith.andi %ge3A_275, %lt3A_279 : vector<16xi1>
    tpu.vector_store_idx %arg5[%add3A_273], %broadcast_in_dim3A_157 masked %and3A_280 : memref<12032xf32, #tpu.memory_space<vmem>>[vector<16xi32>], vector<16xf32>, vector<16xi1>
    %get3A_281 = arith.constant 80 : index
    %get3A_282 = tpu.vector_load %arg4[%get3A_281] {strides = array<i32>} : memref<128xi32, #tpu.memory_space<vmem>>, vector<16xi32>,
    %sub3A_283 = vector.broadcast %mul3A_32 : i32 to vector<16xi32>
    %sub3A_284 = arith.subi %get3A_282, %sub3A_283 : vector<16xi32>
    %jit3A_285 = arith.constant 0 : i32
    %jit3A_286 = arith.constant 93 : i32
    %max3A_287 = vector.broadcast %jit3A_285 : i32 to vector<16xi32>
    %max3A_288 = arith.maxsi %max3A_287, %sub3A_284 : vector<16xi32>
    %min3A_289 = vector.broadcast %jit3A_286 : i32 to vector<16xi32>
    %min3A_290 = arith.minsi %min3A_289, %max3A_288 : vector<16xi32>
    %mul3A_291 = arith.constant 128 : i32
    %mul3A_292 = vector.broadcast %mul3A_291 : i32 to vector<16xi32>
    %mul3A_293 = arith.muli %min3A_290, %mul3A_292 : vector<16xi32>
    %iota3A_294 = tpu.iota {dimensions = array<i32: 0>} : vector<16xi32>
    %add3A_295 = arith.constant 80 : i32
    %add3A_296 = vector.broadcast %add3A_295 : i32 to vector<16xi32>
    %add3A_297 = arith.addi %iota3A_294, %add3A_296 : vector<16xi32>
    %add3A_298 = arith.addi %mul3A_293, %add3A_297 : vector<16xi32>
    %ge3A_299 = vector.broadcast %mul3A_32 : i32 to vector<16xi32>
    %ge3A_300 = arith.cmpi sge, %get3A_282, %ge3A_299 : vector<16xi32>
    %add3A_301 = arith.constant 94 : i32
    %add3A_302 = arith.addi %mul3A_32, %add3A_301 : i32
    %lt3A_303 = vector.broadcast %add3A_302 : i32 to vector<16xi32>
    %lt3A_304 = arith.cmpi slt, %get3A_282, %lt3A_303 : vector<16xi32>
    %and3A_305 = arith.andi %ge3A_300, %lt3A_304 : vector<16xi1>
    tpu.vector_store_idx %arg5[%add3A_298], %broadcast_in_dim3A_157 masked %and3A_305 : memref<12032xf32, #tpu.memory_space<vmem>>[vector<16xi32>], vector<16xf32>, vector<16xi1>
    %get3A_306 = arith.constant 96 : index
    %get3A_307 = tpu.vector_load %arg4[%get3A_306] {strides = array<i32>} : memref<128xi32, #tpu.memory_space<vmem>>, vector<16xi32>,
    %sub3A_308 = vector.broadcast %mul3A_32 : i32 to vector<16xi32>
    %sub3A_309 = arith.subi %get3A_307, %sub3A_308 : vector<16xi32>
    %jit3A_310 = arith.constant 0 : i32
    %jit3A_311 = arith.constant 93 : i32
    %max3A_312 = vector.broadcast %jit3A_310 : i32 to vector<16xi32>
    %max3A_313 = arith.maxsi %max3A_312, %sub3A_309 : vector<16xi32>
    %min3A_314 = vector.broadcast %jit3A_311 : i32 to vector<16xi32>
    %min3A_315 = arith.minsi %min3A_314, %max3A_313 : vector<16xi32>
    %mul3A_316 = arith.constant 128 : i32
    %mul3A_317 = vector.broadcast %mul3A_316 : i32 to vector<16xi32>
    %mul3A_318 = arith.muli %min3A_315, %mul3A_317 : vector<16xi32>
    %iota3A_319 = tpu.iota {dimensions = array<i32: 0>} : vector<16xi32>
    %add3A_320 = arith.constant 96 : i32
    %add3A_321 = vector.broadcast %add3A_320 : i32 to vector<16xi32>
    %add3A_322 = arith.addi %iota3A_319, %add3A_321 : vector<16xi32>
    %add3A_323 = arith.addi %mul3A_318, %add3A_322 : vector<16xi32>
    %ge3A_324 = vector.broadcast %mul3A_32 : i32 to vector<16xi32>
    %ge3A_325 = arith.cmpi sge, %get3A_307, %ge3A_324 : vector<16xi32>
    %add3A_326 = arith.constant 94 : i32
    %add3A_327 = arith.addi %mul3A_32, %add3A_326 : i32
    %lt3A_328 = vector.broadcast %add3A_327 : i32 to vector<16xi32>
    %lt3A_329 = arith.cmpi slt, %get3A_307, %lt3A_328 : vector<16xi32>
    %and3A_330 = arith.andi %ge3A_325, %lt3A_329 : vector<16xi1>
    tpu.vector_store_idx %arg5[%add3A_323], %broadcast_in_dim3A_157 masked %and3A_330 : memref<12032xf32, #tpu.memory_space<vmem>>[vector<16xi32>], vector<16xf32>, vector<16xi1>
    %get3A_331 = arith.constant 112 : index
    %get3A_332 = tpu.vector_load %arg4[%get3A_331] {strides = array<i32>} : memref<128xi32, #tpu.memory_space<vmem>>, vector<16xi32>,
    %sub3A_333 = vector.broadcast %mul3A_32 : i32 to vector<16xi32>
    %sub3A_334 = arith.subi %get3A_332, %sub3A_333 : vector<16xi32>
    %jit3A_335 = arith.constant 0 : i32
    %jit3A_336 = arith.constant 93 : i32
    %max3A_337 = vector.broadcast %jit3A_335 : i32 to vector<16xi32>
    %max3A_338 = arith.maxsi %max3A_337, %sub3A_334 : vector<16xi32>
    %min3A_339 = vector.broadcast %jit3A_336 : i32 to vector<16xi32>
    %min3A_340 = arith.minsi %min3A_339, %max3A_338 : vector<16xi32>
    %mul3A_341 = arith.constant 128 : i32
    %mul3A_342 = vector.broadcast %mul3A_341 : i32 to vector<16xi32>
    %mul3A_343 = arith.muli %min3A_340, %mul3A_342 : vector<16xi32>
    %iota3A_344 = tpu.iota {dimensions = array<i32: 0>} : vector<16xi32>
    %add3A_345 = arith.constant 112 : i32
    %add3A_346 = vector.broadcast %add3A_345 : i32 to vector<16xi32>
    %add3A_347 = arith.addi %iota3A_344, %add3A_346 : vector<16xi32>
    %add3A_348 = arith.addi %mul3A_343, %add3A_347 : vector<16xi32>
    %ge3A_349 = vector.broadcast %mul3A_32 : i32 to vector<16xi32>
    %ge3A_350 = arith.cmpi sge, %get3A_332, %ge3A_349 : vector<16xi32>
    %add3A_351 = arith.constant 94 : i32
    %add3A_352 = arith.addi %mul3A_32, %add3A_351 : i32
    %lt3A_353 = vector.broadcast %add3A_352 : i32 to vector<16xi32>
    %lt3A_354 = arith.cmpi slt, %get3A_332, %lt3A_353 : vector<16xi32>
    %and3A_355 = arith.andi %ge3A_350, %lt3A_354 : vector<16xi1>
    tpu.vector_store_idx %arg5[%add3A_348], %broadcast_in_dim3A_157 masked %and3A_355 : memref<12032xf32, #tpu.memory_space<vmem>>[vector<16xi32>], vector<16xf32>, vector<16xi1>
    %mul3A_356 = arith.constant 128 : i32
    %mul3A_357 = arith.muli %mul3A_32, %mul3A_356 : i32
    "tpu.region"() ({
      %run_scoped3A = tpu.sem_alloc : memref<!tpu.dma_semaphore, #tpu.memory_space<semaphore_mem>>
      %dma_start3A = tpu.memref_slice %arg3[%select_n3A, %mul3A_357] : memref<8x48128xf32, #tpu.memory_space<hbm>> -> memref<1x12032xf32, #tpu.memory_space<hbm>>
      %dma_start3A_358 = tpu.memref_squeeze %dma_start3A : memref<1x12032xf32, #tpu.memory_space<hbm>> -> memref<12032xf32, #tpu.memory_space<hbm>>
      %dma_start3A_359 = tpu.memref_slice %arg3[%select_n3A, %mul3A_357] : memref<8x48128xf32, #tpu.memory_space<hbm>> -> memref<1x12032xf32, #tpu.memory_space<hbm>>
      %dma_start3A_360 = tpu.memref_squeeze %dma_start3A_359 : memref<1x12032xf32, #tpu.memory_space<hbm>> -> memref<12032xf32, #tpu.memory_space<hbm>>
      tpu.enqueue_dma source(%arg5 : memref<12032xf32, #tpu.memory_space<vmem>>) target(%dma_start3A_360 : memref<12032xf32, #tpu.memory_space<hbm>>) target_semaphore(%run_scoped3A : memref<!tpu.dma_semaphore, #tpu.memory_space<semaphore_mem>>)
      %dma_wait3A = tpu.memref_slice %arg3[%select_n3A, %mul3A_357] : memref<8x48128xf32, #tpu.memory_space<hbm>> -> memref<1x12032xf32, #tpu.memory_space<hbm>>
      %dma_wait3A_361 = tpu.memref_squeeze %dma_wait3A : memref<1x12032xf32, #tpu.memory_space<hbm>> -> memref<12032xf32, #tpu.memory_space<hbm>>
      %dma_wait3A_362 = tpu.memref_slice %arg3[%select_n3A, %mul3A_357] : memref<8x48128xf32, #tpu.memory_space<hbm>> -> memref<1x12032xf32, #tpu.memory_space<hbm>>
      %dma_wait3A_363 = tpu.memref_squeeze %dma_wait3A_362 : memref<1x12032xf32, #tpu.memory_space<hbm>> -> memref<12032xf32, #tpu.memory_space<hbm>>
      tpu.wait_dma2 semaphore(%run_scoped3A : memref<!tpu.dma_semaphore, #tpu.memory_space<semaphore_mem>>) src(%arg5 : memref<12032xf32, #tpu.memory_space<vmem>>) dst(%dma_wait3A_363 : memref<12032xf32, #tpu.memory_space<hbm>>)
      tpu.yield
    }) : () -> ()
    return
  }
}

module attributes {stable_mosaic.version = 14 : i64} {
  func.func @body(%arg0: i32, %arg1: i32, %arg2: memref<1x16x192x375xf32, #tpu.memory_space<vmem>>, %arg3: memref<1x375x128xbf16, #tpu.memory_space<vmem>>, %arg4: memref<1x128x16x32xf32, #tpu.memory_space<vmem>>, %arg5: memref<192x256xbf16, #tpu.memory_space<vmem>>, %arg6: memref<1x256xf32, #tpu.memory_space<vmem>>, %arg7: memref<32x256xf32, #tpu.memory_space<vmem>>, %arg8: memref<1x256xf32, #tpu.memory_space<vmem>>, %arg9: memref<1x128x80x256xf32, #tpu.memory_space<vmem>>) attributes {dimension_semantics = [#tpu.dimension_semantics<arbitrary>, #tpu.dimension_semantics<arbitrary>], iteration_bounds = array<i64: 8, 4>, scalar_prefetch = 0 : i64, scratch_operands = 0 : i64, tpu.core_type = #tpu.core_type<tc>, window_params = [{transform_indices = @transform_0, window_bounds = array<i64: 1, 16, 192, 375>}, {transform_indices = @transform_1, window_bounds = array<i64: 1, 375, 128>}, {transform_indices = @transform_2, window_bounds = array<i64: 1, 128, 16, 32>}, {pipeline_mode = #tpu.pipeline_mode<synchronous>, transform_indices = @transform_3, window_bounds = array<i64: 192, 256>}, {pipeline_mode = #tpu.pipeline_mode<synchronous>, transform_indices = @transform_4, window_bounds = array<i64: 1, 256>}, {pipeline_mode = #tpu.pipeline_mode<synchronous>, transform_indices = @transform_5, window_bounds = array<i64: 32, 256>}, {pipeline_mode = #tpu.pipeline_mode<synchronous>, transform_indices = @transform_6, window_bounds = array<i64: 1, 256>}, {transform_indices = @transform_7, window_bounds = array<i64: 1, 128, 80, 256>}]} {
    %eq3A = arith.constant 0 : i32
    %eq3A_0 = arith.cmpi eq, %arg1, %eq3A : i32
    %convert_element_type3A = arith.extui %eq3A_0 : i1 to i32
    %cond3A = arith.constant 0 : i32
    %cond3A_1 = arith.cmpi ne, %convert_element_type3A, %cond3A : i32
    scf.if %cond3A_1 {
      %get3A_453 = arith.constant 0 : index
      %get3A_454 = arith.constant 0 : index
      %get3A_455 = arith.constant 0 : index
      %get3A_456 = arith.constant 0 : index
      %get3A_457 = vector.load %arg4[%get3A_453, %get3A_454, %get3A_455, %get3A_456] : memref<1x128x16x32xf32, #tpu.memory_space<vmem>>, vector<1x128x16x32xf32>
      %get3A_458 = vector.shape_cast %get3A_457 : vector<1x128x16x32xf32> to vector<128x16x32xf32>
      %reshape3A = vector.shape_cast %get3A_458 : vector<128x16x32xf32> to vector<2048x32xf32>
      %get3A_459 = arith.constant 0 : index
      %get3A_460 = arith.constant 0 : index
      %get3A_461 = vector.load %arg7[%get3A_459, %get3A_460] : memref<32x256xf32, #tpu.memory_space<vmem>>, vector<32x256xf32>
      %dot_general3A_462 = arith.constant dense<0.000000e+00> : vector<2048x256xf32>
      %dot_general3A_463 = tpu.matmul %reshape3A, %get3A_461, %dot_general3A_462 {dimension_numbers = #tpu.dot_dimension_numbers<[1], [0], [0], [1], [0, 0, 1, 1], [], []>, transpose_lhs_hint = false} : vector<2048x32xf32>, vector<32x256xf32>, vector<2048x256xf32> -> vector<2048x256xf32>
      %get3A_464 = arith.constant 0 : index
      %get3A_465 = arith.constant 0 : index
      %get3A_466 = vector.load %arg8[%get3A_464, %get3A_465] : memref<1x256xf32, #tpu.memory_space<vmem>>, vector<1x256xf32>
      %add3A_467 = vector.broadcast %get3A_466 : vector<1x256xf32> to vector<2048x256xf32>
      %add3A_468 = arith.addf %dot_general3A_463, %add3A_467 : vector<2048x256xf32>
      %reshape3A_469 = vector.shape_cast %add3A_468 : vector<2048x256xf32> to vector<128x16x256xf32>
      %swap3A_470 = arith.constant 0 : index
      %swap3A_471 = arith.constant 0 : index
      %swap3A_472 = arith.constant 0 : index
      %swap3A_473 = arith.constant 0 : index
      %swap3A_474 = vector.load %arg9[%swap3A_470, %swap3A_471, %swap3A_472, %swap3A_473] : memref<1x128x80x256xf32, #tpu.memory_space<vmem>>, vector<1x128x16x256xf32>
      %swap3A_475 = vector.shape_cast %swap3A_474 : vector<1x128x16x256xf32> to vector<128x16x256xf32>
      %swap3A_476 = vector.shape_cast %reshape3A_469 : vector<128x16x256xf32> to vector<1x128x16x256xf32>
      tpu.vector_store %arg9[%swap3A_470, %swap3A_471, %swap3A_472, %swap3A_473], %swap3A_476 {strides = array<i32>} : memref<1x128x80x256xf32, #tpu.memory_space<vmem>>, vector<1x128x16x256xf32>,
    } else {
    }
    %get3A = arith.constant 0 : index
    %get3A_2 = arith.constant 0 : index
    %get3A_3 = arith.constant 0 : index
    %get3A_4 = vector.load %arg3[%get3A, %get3A_2, %get3A_3] : memref<1x375x128xbf16, #tpu.memory_space<vmem>>, vector<1x375x128xbf16>
    %get3A_5 = vector.shape_cast %get3A_4 : vector<1x375x128xbf16> to vector<375x128xbf16>
    %get3A_6 = arith.constant 0 : index
    %get3A_7 = arith.constant 0 : index
    %get3A_8 = vector.load %arg6[%get3A_6, %get3A_7] : memref<1x256xf32, #tpu.memory_space<vmem>>, vector<1x256xf32>
    %get3A_9 = arith.constant 0 : index
    %get3A_10 = arith.constant 0 : index
    %get3A_11 = arith.constant 0 : index
    %get3A_12 = arith.constant 0 : index
    %get3A_13 = vector.load %arg2[%get3A_9, %get3A_10, %get3A_11, %get3A_12] : memref<1x16x192x375xf32, #tpu.memory_space<vmem>>, vector<1x1x192x375xf32>
    %get3A_14 = vector.shape_cast %get3A_13 : vector<1x1x192x375xf32> to vector<192x375xf32>
    %dot_general3A = arith.constant dense<0.000000e+00> : vector<128x192xf32>
    %dot_general3A_15 = tpu.matmul %get3A_5, %get3A_14, %dot_general3A {dimension_numbers = #tpu.dot_dimension_numbers<[0], [1], [1], [0], [0, 1, 1, 0], [], []>, transpose_lhs_hint = false} : vector<375x128xbf16>, vector<192x375xf32>, vector<128x192xf32> -> vector<128x192xf32>
    %get3A_16 = arith.constant 0 : index
    %get3A_17 = arith.constant 0 : index
    %get3A_18 = vector.load %arg5[%get3A_16, %get3A_17] : memref<192x256xbf16, #tpu.memory_space<vmem>>, vector<192x256xbf16>
    %dot_general3A_19 = arith.constant dense<0.000000e+00> : vector<128x256xf32>
    %dot_general3A_20 = tpu.matmul %dot_general3A_15, %get3A_18, %dot_general3A_19 {dimension_numbers = #tpu.dot_dimension_numbers<[1], [0], [0], [1], [0, 0, 1, 1], [], []>, transpose_lhs_hint = false} : vector<128x192xf32>, vector<192x256xbf16>, vector<128x256xf32> -> vector<128x256xf32>
    %add3A = vector.broadcast %get3A_8 : vector<1x256xf32> to vector<128x256xf32>
    %add3A_21 = arith.addf %dot_general3A_20, %add3A : vector<128x256xf32>
    %mul3A = arith.constant 16 : i32
    %mul3A_22 = arith.muli %arg1, %mul3A : i32
    %add3A_23 = arith.constant 16 : i32
    %add3A_24 = arith.addi %add3A_23, %mul3A_22 : i32
    %add3A_25 = arith.constant 0 : i32
    %add3A_26 = arith.addi %add3A_24, %add3A_25 : i32
    %swap3A = arith.constant 0 : index
    %swap3A_27 = arith.constant 0 : index
    %swap3A_28 = arith.index_cast %add3A_26 : i32 to index
    %swap3A_29 = arith.constant 0 : index
    %swap3A_30 = vector.load %arg9[%swap3A, %swap3A_27, %swap3A_28, %swap3A_29] : memref<1x128x80x256xf32, #tpu.memory_space<vmem>>, vector<1x128x1x256xf32>
    %swap3A_31 = vector.shape_cast %swap3A_30 : vector<1x128x1x256xf32> to vector<128x256xf32>
    %swap3A_32 = vector.shape_cast %add3A_21 : vector<128x256xf32> to vector<1x128x1x256xf32>
    tpu.vector_store %arg9[%swap3A, %swap3A_27, %swap3A_28, %swap3A_29], %swap3A_32 {strides = array<i32>} : memref<1x128x80x256xf32, #tpu.memory_space<vmem>>, vector<1x128x1x256xf32>,
    %get3A_33 = arith.constant 0 : index
    %get3A_34 = arith.constant 1 : index
    %get3A_35 = arith.constant 0 : index
    %get3A_36 = arith.constant 0 : index
    %get3A_37 = vector.load %arg2[%get3A_33, %get3A_34, %get3A_35, %get3A_36] : memref<1x16x192x375xf32, #tpu.memory_space<vmem>>, vector<1x1x192x375xf32>
    %get3A_38 = vector.shape_cast %get3A_37 : vector<1x1x192x375xf32> to vector<192x375xf32>
    %dot_general3A_39 = arith.constant dense<0.000000e+00> : vector<128x192xf32>
    %dot_general3A_40 = tpu.matmul %get3A_5, %get3A_38, %dot_general3A_39 {dimension_numbers = #tpu.dot_dimension_numbers<[0], [1], [1], [0], [0, 1, 1, 0], [], []>, transpose_lhs_hint = false} : vector<375x128xbf16>, vector<192x375xf32>, vector<128x192xf32> -> vector<128x192xf32>
    %get3A_41 = arith.constant 0 : index
    %get3A_42 = arith.constant 0 : index
    %get3A_43 = vector.load %arg5[%get3A_41, %get3A_42] : memref<192x256xbf16, #tpu.memory_space<vmem>>, vector<192x256xbf16>
    %dot_general3A_44 = arith.constant dense<0.000000e+00> : vector<128x256xf32>
    %dot_general3A_45 = tpu.matmul %dot_general3A_40, %get3A_43, %dot_general3A_44 {dimension_numbers = #tpu.dot_dimension_numbers<[1], [0], [0], [1], [0, 0, 1, 1], [], []>, transpose_lhs_hint = false} : vector<128x192xf32>, vector<192x256xbf16>, vector<128x256xf32> -> vector<128x256xf32>
    %add3A_46 = vector.broadcast %get3A_8 : vector<1x256xf32> to vector<128x256xf32>
    %add3A_47 = arith.addf %dot_general3A_45, %add3A_46 : vector<128x256xf32>
    %mul3A_48 = arith.constant 16 : i32
    %mul3A_49 = arith.muli %arg1, %mul3A_48 : i32
    %add3A_50 = arith.constant 16 : i32
    %add3A_51 = arith.addi %add3A_50, %mul3A_49 : i32
    %add3A_52 = arith.constant 1 : i32
    %add3A_53 = arith.addi %add3A_51, %add3A_52 : i32
    %swap3A_54 = arith.constant 0 : index
    %swap3A_55 = arith.constant 0 : index
    %swap3A_56 = arith.index_cast %add3A_53 : i32 to index
    %swap3A_57 = arith.constant 0 : index
    %swap3A_58 = vector.load %arg9[%swap3A_54, %swap3A_55, %swap3A_56, %swap3A_57] : memref<1x128x80x256xf32, #tpu.memory_space<vmem>>, vector<1x128x1x256xf32>
    %swap3A_59 = vector.shape_cast %swap3A_58 : vector<1x128x1x256xf32> to vector<128x256xf32>
    %swap3A_60 = vector.shape_cast %add3A_47 : vector<128x256xf32> to vector<1x128x1x256xf32>
    tpu.vector_store %arg9[%swap3A_54, %swap3A_55, %swap3A_56, %swap3A_57], %swap3A_60 {strides = array<i32>} : memref<1x128x80x256xf32, #tpu.memory_space<vmem>>, vector<1x128x1x256xf32>,
    %get3A_61 = arith.constant 0 : index
    %get3A_62 = arith.constant 2 : index
    %get3A_63 = arith.constant 0 : index
    %get3A_64 = arith.constant 0 : index
    %get3A_65 = vector.load %arg2[%get3A_61, %get3A_62, %get3A_63, %get3A_64] : memref<1x16x192x375xf32, #tpu.memory_space<vmem>>, vector<1x1x192x375xf32>
    %get3A_66 = vector.shape_cast %get3A_65 : vector<1x1x192x375xf32> to vector<192x375xf32>
    %dot_general3A_67 = arith.constant dense<0.000000e+00> : vector<128x192xf32>
    %dot_general3A_68 = tpu.matmul %get3A_5, %get3A_66, %dot_general3A_67 {dimension_numbers = #tpu.dot_dimension_numbers<[0], [1], [1], [0], [0, 1, 1, 0], [], []>, transpose_lhs_hint = false} : vector<375x128xbf16>, vector<192x375xf32>, vector<128x192xf32> -> vector<128x192xf32>
    %get3A_69 = arith.constant 0 : index
    %get3A_70 = arith.constant 0 : index
    %get3A_71 = vector.load %arg5[%get3A_69, %get3A_70] : memref<192x256xbf16, #tpu.memory_space<vmem>>, vector<192x256xbf16>
    %dot_general3A_72 = arith.constant dense<0.000000e+00> : vector<128x256xf32>
    %dot_general3A_73 = tpu.matmul %dot_general3A_68, %get3A_71, %dot_general3A_72 {dimension_numbers = #tpu.dot_dimension_numbers<[1], [0], [0], [1], [0, 0, 1, 1], [], []>, transpose_lhs_hint = false} : vector<128x192xf32>, vector<192x256xbf16>, vector<128x256xf32> -> vector<128x256xf32>
    %add3A_74 = vector.broadcast %get3A_8 : vector<1x256xf32> to vector<128x256xf32>
    %add3A_75 = arith.addf %dot_general3A_73, %add3A_74 : vector<128x256xf32>
    %mul3A_76 = arith.constant 16 : i32
    %mul3A_77 = arith.muli %arg1, %mul3A_76 : i32
    %add3A_78 = arith.constant 16 : i32
    %add3A_79 = arith.addi %add3A_78, %mul3A_77 : i32
    %add3A_80 = arith.constant 2 : i32
    %add3A_81 = arith.addi %add3A_79, %add3A_80 : i32
    %swap3A_82 = arith.constant 0 : index
    %swap3A_83 = arith.constant 0 : index
    %swap3A_84 = arith.index_cast %add3A_81 : i32 to index
    %swap3A_85 = arith.constant 0 : index
    %swap3A_86 = vector.load %arg9[%swap3A_82, %swap3A_83, %swap3A_84, %swap3A_85] : memref<1x128x80x256xf32, #tpu.memory_space<vmem>>, vector<1x128x1x256xf32>
    %swap3A_87 = vector.shape_cast %swap3A_86 : vector<1x128x1x256xf32> to vector<128x256xf32>
    %swap3A_88 = vector.shape_cast %add3A_75 : vector<128x256xf32> to vector<1x128x1x256xf32>
    tpu.vector_store %arg9[%swap3A_82, %swap3A_83, %swap3A_84, %swap3A_85], %swap3A_88 {strides = array<i32>} : memref<1x128x80x256xf32, #tpu.memory_space<vmem>>, vector<1x128x1x256xf32>,
    %get3A_89 = arith.constant 0 : index
    %get3A_90 = arith.constant 3 : index
    %get3A_91 = arith.constant 0 : index
    %get3A_92 = arith.constant 0 : index
    %get3A_93 = vector.load %arg2[%get3A_89, %get3A_90, %get3A_91, %get3A_92] : memref<1x16x192x375xf32, #tpu.memory_space<vmem>>, vector<1x1x192x375xf32>
    %get3A_94 = vector.shape_cast %get3A_93 : vector<1x1x192x375xf32> to vector<192x375xf32>
    %dot_general3A_95 = arith.constant dense<0.000000e+00> : vector<128x192xf32>
    %dot_general3A_96 = tpu.matmul %get3A_5, %get3A_94, %dot_general3A_95 {dimension_numbers = #tpu.dot_dimension_numbers<[0], [1], [1], [0], [0, 1, 1, 0], [], []>, transpose_lhs_hint = false} : vector<375x128xbf16>, vector<192x375xf32>, vector<128x192xf32> -> vector<128x192xf32>
    %get3A_97 = arith.constant 0 : index
    %get3A_98 = arith.constant 0 : index
    %get3A_99 = vector.load %arg5[%get3A_97, %get3A_98] : memref<192x256xbf16, #tpu.memory_space<vmem>>, vector<192x256xbf16>
    %dot_general3A_100 = arith.constant dense<0.000000e+00> : vector<128x256xf32>
    %dot_general3A_101 = tpu.matmul %dot_general3A_96, %get3A_99, %dot_general3A_100 {dimension_numbers = #tpu.dot_dimension_numbers<[1], [0], [0], [1], [0, 0, 1, 1], [], []>, transpose_lhs_hint = false} : vector<128x192xf32>, vector<192x256xbf16>, vector<128x256xf32> -> vector<128x256xf32>
    %add3A_102 = vector.broadcast %get3A_8 : vector<1x256xf32> to vector<128x256xf32>
    %add3A_103 = arith.addf %dot_general3A_101, %add3A_102 : vector<128x256xf32>
    %mul3A_104 = arith.constant 16 : i32
    %mul3A_105 = arith.muli %arg1, %mul3A_104 : i32
    %add3A_106 = arith.constant 16 : i32
    %add3A_107 = arith.addi %add3A_106, %mul3A_105 : i32
    %add3A_108 = arith.constant 3 : i32
    %add3A_109 = arith.addi %add3A_107, %add3A_108 : i32
    %swap3A_110 = arith.constant 0 : index
    %swap3A_111 = arith.constant 0 : index
    %swap3A_112 = arith.index_cast %add3A_109 : i32 to index
    %swap3A_113 = arith.constant 0 : index
    %swap3A_114 = vector.load %arg9[%swap3A_110, %swap3A_111, %swap3A_112, %swap3A_113] : memref<1x128x80x256xf32, #tpu.memory_space<vmem>>, vector<1x128x1x256xf32>
    %swap3A_115 = vector.shape_cast %swap3A_114 : vector<1x128x1x256xf32> to vector<128x256xf32>
    %swap3A_116 = vector.shape_cast %add3A_103 : vector<128x256xf32> to vector<1x128x1x256xf32>
    tpu.vector_store %arg9[%swap3A_110, %swap3A_111, %swap3A_112, %swap3A_113], %swap3A_116 {strides = array<i32>} : memref<1x128x80x256xf32, #tpu.memory_space<vmem>>, vector<1x128x1x256xf32>,
    %get3A_117 = arith.constant 0 : index
    %get3A_118 = arith.constant 4 : index
    %get3A_119 = arith.constant 0 : index
    %get3A_120 = arith.constant 0 : index
    %get3A_121 = vector.load %arg2[%get3A_117, %get3A_118, %get3A_119, %get3A_120] : memref<1x16x192x375xf32, #tpu.memory_space<vmem>>, vector<1x1x192x375xf32>
    %get3A_122 = vector.shape_cast %get3A_121 : vector<1x1x192x375xf32> to vector<192x375xf32>
    %dot_general3A_123 = arith.constant dense<0.000000e+00> : vector<128x192xf32>
    %dot_general3A_124 = tpu.matmul %get3A_5, %get3A_122, %dot_general3A_123 {dimension_numbers = #tpu.dot_dimension_numbers<[0], [1], [1], [0], [0, 1, 1, 0], [], []>, transpose_lhs_hint = false} : vector<375x128xbf16>, vector<192x375xf32>, vector<128x192xf32> -> vector<128x192xf32>
    %get3A_125 = arith.constant 0 : index
    %get3A_126 = arith.constant 0 : index
    %get3A_127 = vector.load %arg5[%get3A_125, %get3A_126] : memref<192x256xbf16, #tpu.memory_space<vmem>>, vector<192x256xbf16>
    %dot_general3A_128 = arith.constant dense<0.000000e+00> : vector<128x256xf32>
    %dot_general3A_129 = tpu.matmul %dot_general3A_124, %get3A_127, %dot_general3A_128 {dimension_numbers = #tpu.dot_dimension_numbers<[1], [0], [0], [1], [0, 0, 1, 1], [], []>, transpose_lhs_hint = false} : vector<128x192xf32>, vector<192x256xbf16>, vector<128x256xf32> -> vector<128x256xf32>
    %add3A_130 = vector.broadcast %get3A_8 : vector<1x256xf32> to vector<128x256xf32>
    %add3A_131 = arith.addf %dot_general3A_129, %add3A_130 : vector<128x256xf32>
    %mul3A_132 = arith.constant 16 : i32
    %mul3A_133 = arith.muli %arg1, %mul3A_132 : i32
    %add3A_134 = arith.constant 16 : i32
    %add3A_135 = arith.addi %add3A_134, %mul3A_133 : i32
    %add3A_136 = arith.constant 4 : i32
    %add3A_137 = arith.addi %add3A_135, %add3A_136 : i32
    %swap3A_138 = arith.constant 0 : index
    %swap3A_139 = arith.constant 0 : index
    %swap3A_140 = arith.index_cast %add3A_137 : i32 to index
    %swap3A_141 = arith.constant 0 : index
    %swap3A_142 = vector.load %arg9[%swap3A_138, %swap3A_139, %swap3A_140, %swap3A_141] : memref<1x128x80x256xf32, #tpu.memory_space<vmem>>, vector<1x128x1x256xf32>
    %swap3A_143 = vector.shape_cast %swap3A_142 : vector<1x128x1x256xf32> to vector<128x256xf32>
    %swap3A_144 = vector.shape_cast %add3A_131 : vector<128x256xf32> to vector<1x128x1x256xf32>
    tpu.vector_store %arg9[%swap3A_138, %swap3A_139, %swap3A_140, %swap3A_141], %swap3A_144 {strides = array<i32>} : memref<1x128x80x256xf32, #tpu.memory_space<vmem>>, vector<1x128x1x256xf32>,
    %get3A_145 = arith.constant 0 : index
    %get3A_146 = arith.constant 5 : index
    %get3A_147 = arith.constant 0 : index
    %get3A_148 = arith.constant 0 : index
    %get3A_149 = vector.load %arg2[%get3A_145, %get3A_146, %get3A_147, %get3A_148] : memref<1x16x192x375xf32, #tpu.memory_space<vmem>>, vector<1x1x192x375xf32>
    %get3A_150 = vector.shape_cast %get3A_149 : vector<1x1x192x375xf32> to vector<192x375xf32>
    %dot_general3A_151 = arith.constant dense<0.000000e+00> : vector<128x192xf32>
    %dot_general3A_152 = tpu.matmul %get3A_5, %get3A_150, %dot_general3A_151 {dimension_numbers = #tpu.dot_dimension_numbers<[0], [1], [1], [0], [0, 1, 1, 0], [], []>, transpose_lhs_hint = false} : vector<375x128xbf16>, vector<192x375xf32>, vector<128x192xf32> -> vector<128x192xf32>
    %get3A_153 = arith.constant 0 : index
    %get3A_154 = arith.constant 0 : index
    %get3A_155 = vector.load %arg5[%get3A_153, %get3A_154] : memref<192x256xbf16, #tpu.memory_space<vmem>>, vector<192x256xbf16>
    %dot_general3A_156 = arith.constant dense<0.000000e+00> : vector<128x256xf32>
    %dot_general3A_157 = tpu.matmul %dot_general3A_152, %get3A_155, %dot_general3A_156 {dimension_numbers = #tpu.dot_dimension_numbers<[1], [0], [0], [1], [0, 0, 1, 1], [], []>, transpose_lhs_hint = false} : vector<128x192xf32>, vector<192x256xbf16>, vector<128x256xf32> -> vector<128x256xf32>
    %add3A_158 = vector.broadcast %get3A_8 : vector<1x256xf32> to vector<128x256xf32>
    %add3A_159 = arith.addf %dot_general3A_157, %add3A_158 : vector<128x256xf32>
    %mul3A_160 = arith.constant 16 : i32
    %mul3A_161 = arith.muli %arg1, %mul3A_160 : i32
    %add3A_162 = arith.constant 16 : i32
    %add3A_163 = arith.addi %add3A_162, %mul3A_161 : i32
    %add3A_164 = arith.constant 5 : i32
    %add3A_165 = arith.addi %add3A_163, %add3A_164 : i32
    %swap3A_166 = arith.constant 0 : index
    %swap3A_167 = arith.constant 0 : index
    %swap3A_168 = arith.index_cast %add3A_165 : i32 to index
    %swap3A_169 = arith.constant 0 : index
    %swap3A_170 = vector.load %arg9[%swap3A_166, %swap3A_167, %swap3A_168, %swap3A_169] : memref<1x128x80x256xf32, #tpu.memory_space<vmem>>, vector<1x128x1x256xf32>
    %swap3A_171 = vector.shape_cast %swap3A_170 : vector<1x128x1x256xf32> to vector<128x256xf32>
    %swap3A_172 = vector.shape_cast %add3A_159 : vector<128x256xf32> to vector<1x128x1x256xf32>
    tpu.vector_store %arg9[%swap3A_166, %swap3A_167, %swap3A_168, %swap3A_169], %swap3A_172 {strides = array<i32>} : memref<1x128x80x256xf32, #tpu.memory_space<vmem>>, vector<1x128x1x256xf32>,
    %get3A_173 = arith.constant 0 : index
    %get3A_174 = arith.constant 6 : index
    %get3A_175 = arith.constant 0 : index
    %get3A_176 = arith.constant 0 : index
    %get3A_177 = vector.load %arg2[%get3A_173, %get3A_174, %get3A_175, %get3A_176] : memref<1x16x192x375xf32, #tpu.memory_space<vmem>>, vector<1x1x192x375xf32>
    %get3A_178 = vector.shape_cast %get3A_177 : vector<1x1x192x375xf32> to vector<192x375xf32>
    %dot_general3A_179 = arith.constant dense<0.000000e+00> : vector<128x192xf32>
    %dot_general3A_180 = tpu.matmul %get3A_5, %get3A_178, %dot_general3A_179 {dimension_numbers = #tpu.dot_dimension_numbers<[0], [1], [1], [0], [0, 1, 1, 0], [], []>, transpose_lhs_hint = false} : vector<375x128xbf16>, vector<192x375xf32>, vector<128x192xf32> -> vector<128x192xf32>
    %get3A_181 = arith.constant 0 : index
    %get3A_182 = arith.constant 0 : index
    %get3A_183 = vector.load %arg5[%get3A_181, %get3A_182] : memref<192x256xbf16, #tpu.memory_space<vmem>>, vector<192x256xbf16>
    %dot_general3A_184 = arith.constant dense<0.000000e+00> : vector<128x256xf32>
    %dot_general3A_185 = tpu.matmul %dot_general3A_180, %get3A_183, %dot_general3A_184 {dimension_numbers = #tpu.dot_dimension_numbers<[1], [0], [0], [1], [0, 0, 1, 1], [], []>, transpose_lhs_hint = false} : vector<128x192xf32>, vector<192x256xbf16>, vector<128x256xf32> -> vector<128x256xf32>
    %add3A_186 = vector.broadcast %get3A_8 : vector<1x256xf32> to vector<128x256xf32>
    %add3A_187 = arith.addf %dot_general3A_185, %add3A_186 : vector<128x256xf32>
    %mul3A_188 = arith.constant 16 : i32
    %mul3A_189 = arith.muli %arg1, %mul3A_188 : i32
    %add3A_190 = arith.constant 16 : i32
    %add3A_191 = arith.addi %add3A_190, %mul3A_189 : i32
    %add3A_192 = arith.constant 6 : i32
    %add3A_193 = arith.addi %add3A_191, %add3A_192 : i32
    %swap3A_194 = arith.constant 0 : index
    %swap3A_195 = arith.constant 0 : index
    %swap3A_196 = arith.index_cast %add3A_193 : i32 to index
    %swap3A_197 = arith.constant 0 : index
    %swap3A_198 = vector.load %arg9[%swap3A_194, %swap3A_195, %swap3A_196, %swap3A_197] : memref<1x128x80x256xf32, #tpu.memory_space<vmem>>, vector<1x128x1x256xf32>
    %swap3A_199 = vector.shape_cast %swap3A_198 : vector<1x128x1x256xf32> to vector<128x256xf32>
    %swap3A_200 = vector.shape_cast %add3A_187 : vector<128x256xf32> to vector<1x128x1x256xf32>
    tpu.vector_store %arg9[%swap3A_194, %swap3A_195, %swap3A_196, %swap3A_197], %swap3A_200 {strides = array<i32>} : memref<1x128x80x256xf32, #tpu.memory_space<vmem>>, vector<1x128x1x256xf32>,
    %get3A_201 = arith.constant 0 : index
    %get3A_202 = arith.constant 7 : index
    %get3A_203 = arith.constant 0 : index
    %get3A_204 = arith.constant 0 : index
    %get3A_205 = vector.load %arg2[%get3A_201, %get3A_202, %get3A_203, %get3A_204] : memref<1x16x192x375xf32, #tpu.memory_space<vmem>>, vector<1x1x192x375xf32>
    %get3A_206 = vector.shape_cast %get3A_205 : vector<1x1x192x375xf32> to vector<192x375xf32>
    %dot_general3A_207 = arith.constant dense<0.000000e+00> : vector<128x192xf32>
    %dot_general3A_208 = tpu.matmul %get3A_5, %get3A_206, %dot_general3A_207 {dimension_numbers = #tpu.dot_dimension_numbers<[0], [1], [1], [0], [0, 1, 1, 0], [], []>, transpose_lhs_hint = false} : vector<375x128xbf16>, vector<192x375xf32>, vector<128x192xf32> -> vector<128x192xf32>
    %get3A_209 = arith.constant 0 : index
    %get3A_210 = arith.constant 0 : index
    %get3A_211 = vector.load %arg5[%get3A_209, %get3A_210] : memref<192x256xbf16, #tpu.memory_space<vmem>>, vector<192x256xbf16>
    %dot_general3A_212 = arith.constant dense<0.000000e+00> : vector<128x256xf32>
    %dot_general3A_213 = tpu.matmul %dot_general3A_208, %get3A_211, %dot_general3A_212 {dimension_numbers = #tpu.dot_dimension_numbers<[1], [0], [0], [1], [0, 0, 1, 1], [], []>, transpose_lhs_hint = false} : vector<128x192xf32>, vector<192x256xbf16>, vector<128x256xf32> -> vector<128x256xf32>
    %add3A_214 = vector.broadcast %get3A_8 : vector<1x256xf32> to vector<128x256xf32>
    %add3A_215 = arith.addf %dot_general3A_213, %add3A_214 : vector<128x256xf32>
    %mul3A_216 = arith.constant 16 : i32
    %mul3A_217 = arith.muli %arg1, %mul3A_216 : i32
    %add3A_218 = arith.constant 16 : i32
    %add3A_219 = arith.addi %add3A_218, %mul3A_217 : i32
    %add3A_220 = arith.constant 7 : i32
    %add3A_221 = arith.addi %add3A_219, %add3A_220 : i32
    %swap3A_222 = arith.constant 0 : index
    %swap3A_223 = arith.constant 0 : index
    %swap3A_224 = arith.index_cast %add3A_221 : i32 to index
    %swap3A_225 = arith.constant 0 : index
    %swap3A_226 = vector.load %arg9[%swap3A_222, %swap3A_223, %swap3A_224, %swap3A_225] : memref<1x128x80x256xf32, #tpu.memory_space<vmem>>, vector<1x128x1x256xf32>
    %swap3A_227 = vector.shape_cast %swap3A_226 : vector<1x128x1x256xf32> to vector<128x256xf32>
    %swap3A_228 = vector.shape_cast %add3A_215 : vector<128x256xf32> to vector<1x128x1x256xf32>
    tpu.vector_store %arg9[%swap3A_222, %swap3A_223, %swap3A_224, %swap3A_225], %swap3A_228 {strides = array<i32>} : memref<1x128x80x256xf32, #tpu.memory_space<vmem>>, vector<1x128x1x256xf32>,
    %get3A_229 = arith.constant 0 : index
    %get3A_230 = arith.constant 8 : index
    %get3A_231 = arith.constant 0 : index
    %get3A_232 = arith.constant 0 : index
    %get3A_233 = vector.load %arg2[%get3A_229, %get3A_230, %get3A_231, %get3A_232] : memref<1x16x192x375xf32, #tpu.memory_space<vmem>>, vector<1x1x192x375xf32>
    %get3A_234 = vector.shape_cast %get3A_233 : vector<1x1x192x375xf32> to vector<192x375xf32>
    %dot_general3A_235 = arith.constant dense<0.000000e+00> : vector<128x192xf32>
    %dot_general3A_236 = tpu.matmul %get3A_5, %get3A_234, %dot_general3A_235 {dimension_numbers = #tpu.dot_dimension_numbers<[0], [1], [1], [0], [0, 1, 1, 0], [], []>, transpose_lhs_hint = false} : vector<375x128xbf16>, vector<192x375xf32>, vector<128x192xf32> -> vector<128x192xf32>
    %get3A_237 = arith.constant 0 : index
    %get3A_238 = arith.constant 0 : index
    %get3A_239 = vector.load %arg5[%get3A_237, %get3A_238] : memref<192x256xbf16, #tpu.memory_space<vmem>>, vector<192x256xbf16>
    %dot_general3A_240 = arith.constant dense<0.000000e+00> : vector<128x256xf32>
    %dot_general3A_241 = tpu.matmul %dot_general3A_236, %get3A_239, %dot_general3A_240 {dimension_numbers = #tpu.dot_dimension_numbers<[1], [0], [0], [1], [0, 0, 1, 1], [], []>, transpose_lhs_hint = false} : vector<128x192xf32>, vector<192x256xbf16>, vector<128x256xf32> -> vector<128x256xf32>
    %add3A_242 = vector.broadcast %get3A_8 : vector<1x256xf32> to vector<128x256xf32>
    %add3A_243 = arith.addf %dot_general3A_241, %add3A_242 : vector<128x256xf32>
    %mul3A_244 = arith.constant 16 : i32
    %mul3A_245 = arith.muli %arg1, %mul3A_244 : i32
    %add3A_246 = arith.constant 16 : i32
    %add3A_247 = arith.addi %add3A_246, %mul3A_245 : i32
    %add3A_248 = arith.constant 8 : i32
    %add3A_249 = arith.addi %add3A_247, %add3A_248 : i32
    %swap3A_250 = arith.constant 0 : index
    %swap3A_251 = arith.constant 0 : index
    %swap3A_252 = arith.index_cast %add3A_249 : i32 to index
    %swap3A_253 = arith.constant 0 : index
    %swap3A_254 = vector.load %arg9[%swap3A_250, %swap3A_251, %swap3A_252, %swap3A_253] : memref<1x128x80x256xf32, #tpu.memory_space<vmem>>, vector<1x128x1x256xf32>
    %swap3A_255 = vector.shape_cast %swap3A_254 : vector<1x128x1x256xf32> to vector<128x256xf32>
    %swap3A_256 = vector.shape_cast %add3A_243 : vector<128x256xf32> to vector<1x128x1x256xf32>
    tpu.vector_store %arg9[%swap3A_250, %swap3A_251, %swap3A_252, %swap3A_253], %swap3A_256 {strides = array<i32>} : memref<1x128x80x256xf32, #tpu.memory_space<vmem>>, vector<1x128x1x256xf32>,
    %get3A_257 = arith.constant 0 : index
    %get3A_258 = arith.constant 9 : index
    %get3A_259 = arith.constant 0 : index
    %get3A_260 = arith.constant 0 : index
    %get3A_261 = vector.load %arg2[%get3A_257, %get3A_258, %get3A_259, %get3A_260] : memref<1x16x192x375xf32, #tpu.memory_space<vmem>>, vector<1x1x192x375xf32>
    %get3A_262 = vector.shape_cast %get3A_261 : vector<1x1x192x375xf32> to vector<192x375xf32>
    %dot_general3A_263 = arith.constant dense<0.000000e+00> : vector<128x192xf32>
    %dot_general3A_264 = tpu.matmul %get3A_5, %get3A_262, %dot_general3A_263 {dimension_numbers = #tpu.dot_dimension_numbers<[0], [1], [1], [0], [0, 1, 1, 0], [], []>, transpose_lhs_hint = false} : vector<375x128xbf16>, vector<192x375xf32>, vector<128x192xf32> -> vector<128x192xf32>
    %get3A_265 = arith.constant 0 : index
    %get3A_266 = arith.constant 0 : index
    %get3A_267 = vector.load %arg5[%get3A_265, %get3A_266] : memref<192x256xbf16, #tpu.memory_space<vmem>>, vector<192x256xbf16>
    %dot_general3A_268 = arith.constant dense<0.000000e+00> : vector<128x256xf32>
    %dot_general3A_269 = tpu.matmul %dot_general3A_264, %get3A_267, %dot_general3A_268 {dimension_numbers = #tpu.dot_dimension_numbers<[1], [0], [0], [1], [0, 0, 1, 1], [], []>, transpose_lhs_hint = false} : vector<128x192xf32>, vector<192x256xbf16>, vector<128x256xf32> -> vector<128x256xf32>
    %add3A_270 = vector.broadcast %get3A_8 : vector<1x256xf32> to vector<128x256xf32>
    %add3A_271 = arith.addf %dot_general3A_269, %add3A_270 : vector<128x256xf32>
    %mul3A_272 = arith.constant 16 : i32
    %mul3A_273 = arith.muli %arg1, %mul3A_272 : i32
    %add3A_274 = arith.constant 16 : i32
    %add3A_275 = arith.addi %add3A_274, %mul3A_273 : i32
    %add3A_276 = arith.constant 9 : i32
    %add3A_277 = arith.addi %add3A_275, %add3A_276 : i32
    %swap3A_278 = arith.constant 0 : index
    %swap3A_279 = arith.constant 0 : index
    %swap3A_280 = arith.index_cast %add3A_277 : i32 to index
    %swap3A_281 = arith.constant 0 : index
    %swap3A_282 = vector.load %arg9[%swap3A_278, %swap3A_279, %swap3A_280, %swap3A_281] : memref<1x128x80x256xf32, #tpu.memory_space<vmem>>, vector<1x128x1x256xf32>
    %swap3A_283 = vector.shape_cast %swap3A_282 : vector<1x128x1x256xf32> to vector<128x256xf32>
    %swap3A_284 = vector.shape_cast %add3A_271 : vector<128x256xf32> to vector<1x128x1x256xf32>
    tpu.vector_store %arg9[%swap3A_278, %swap3A_279, %swap3A_280, %swap3A_281], %swap3A_284 {strides = array<i32>} : memref<1x128x80x256xf32, #tpu.memory_space<vmem>>, vector<1x128x1x256xf32>,
    %get3A_285 = arith.constant 0 : index
    %get3A_286 = arith.constant 10 : index
    %get3A_287 = arith.constant 0 : index
    %get3A_288 = arith.constant 0 : index
    %get3A_289 = vector.load %arg2[%get3A_285, %get3A_286, %get3A_287, %get3A_288] : memref<1x16x192x375xf32, #tpu.memory_space<vmem>>, vector<1x1x192x375xf32>
    %get3A_290 = vector.shape_cast %get3A_289 : vector<1x1x192x375xf32> to vector<192x375xf32>
    %dot_general3A_291 = arith.constant dense<0.000000e+00> : vector<128x192xf32>
    %dot_general3A_292 = tpu.matmul %get3A_5, %get3A_290, %dot_general3A_291 {dimension_numbers = #tpu.dot_dimension_numbers<[0], [1], [1], [0], [0, 1, 1, 0], [], []>, transpose_lhs_hint = false} : vector<375x128xbf16>, vector<192x375xf32>, vector<128x192xf32> -> vector<128x192xf32>
    %get3A_293 = arith.constant 0 : index
    %get3A_294 = arith.constant 0 : index
    %get3A_295 = vector.load %arg5[%get3A_293, %get3A_294] : memref<192x256xbf16, #tpu.memory_space<vmem>>, vector<192x256xbf16>
    %dot_general3A_296 = arith.constant dense<0.000000e+00> : vector<128x256xf32>
    %dot_general3A_297 = tpu.matmul %dot_general3A_292, %get3A_295, %dot_general3A_296 {dimension_numbers = #tpu.dot_dimension_numbers<[1], [0], [0], [1], [0, 0, 1, 1], [], []>, transpose_lhs_hint = false} : vector<128x192xf32>, vector<192x256xbf16>, vector<128x256xf32> -> vector<128x256xf32>
    %add3A_298 = vector.broadcast %get3A_8 : vector<1x256xf32> to vector<128x256xf32>
    %add3A_299 = arith.addf %dot_general3A_297, %add3A_298 : vector<128x256xf32>
    %mul3A_300 = arith.constant 16 : i32
    %mul3A_301 = arith.muli %arg1, %mul3A_300 : i32
    %add3A_302 = arith.constant 16 : i32
    %add3A_303 = arith.addi %add3A_302, %mul3A_301 : i32
    %add3A_304 = arith.constant 10 : i32
    %add3A_305 = arith.addi %add3A_303, %add3A_304 : i32
    %swap3A_306 = arith.constant 0 : index
    %swap3A_307 = arith.constant 0 : index
    %swap3A_308 = arith.index_cast %add3A_305 : i32 to index
    %swap3A_309 = arith.constant 0 : index
    %swap3A_310 = vector.load %arg9[%swap3A_306, %swap3A_307, %swap3A_308, %swap3A_309] : memref<1x128x80x256xf32, #tpu.memory_space<vmem>>, vector<1x128x1x256xf32>
    %swap3A_311 = vector.shape_cast %swap3A_310 : vector<1x128x1x256xf32> to vector<128x256xf32>
    %swap3A_312 = vector.shape_cast %add3A_299 : vector<128x256xf32> to vector<1x128x1x256xf32>
    tpu.vector_store %arg9[%swap3A_306, %swap3A_307, %swap3A_308, %swap3A_309], %swap3A_312 {strides = array<i32>} : memref<1x128x80x256xf32, #tpu.memory_space<vmem>>, vector<1x128x1x256xf32>,
    %get3A_313 = arith.constant 0 : index
    %get3A_314 = arith.constant 11 : index
    %get3A_315 = arith.constant 0 : index
    %get3A_316 = arith.constant 0 : index
    %get3A_317 = vector.load %arg2[%get3A_313, %get3A_314, %get3A_315, %get3A_316] : memref<1x16x192x375xf32, #tpu.memory_space<vmem>>, vector<1x1x192x375xf32>
    %get3A_318 = vector.shape_cast %get3A_317 : vector<1x1x192x375xf32> to vector<192x375xf32>
    %dot_general3A_319 = arith.constant dense<0.000000e+00> : vector<128x192xf32>
    %dot_general3A_320 = tpu.matmul %get3A_5, %get3A_318, %dot_general3A_319 {dimension_numbers = #tpu.dot_dimension_numbers<[0], [1], [1], [0], [0, 1, 1, 0], [], []>, transpose_lhs_hint = false} : vector<375x128xbf16>, vector<192x375xf32>, vector<128x192xf32> -> vector<128x192xf32>
    %get3A_321 = arith.constant 0 : index
    %get3A_322 = arith.constant 0 : index
    %get3A_323 = vector.load %arg5[%get3A_321, %get3A_322] : memref<192x256xbf16, #tpu.memory_space<vmem>>, vector<192x256xbf16>
    %dot_general3A_324 = arith.constant dense<0.000000e+00> : vector<128x256xf32>
    %dot_general3A_325 = tpu.matmul %dot_general3A_320, %get3A_323, %dot_general3A_324 {dimension_numbers = #tpu.dot_dimension_numbers<[1], [0], [0], [1], [0, 0, 1, 1], [], []>, transpose_lhs_hint = false} : vector<128x192xf32>, vector<192x256xbf16>, vector<128x256xf32> -> vector<128x256xf32>
    %add3A_326 = vector.broadcast %get3A_8 : vector<1x256xf32> to vector<128x256xf32>
    %add3A_327 = arith.addf %dot_general3A_325, %add3A_326 : vector<128x256xf32>
    %mul3A_328 = arith.constant 16 : i32
    %mul3A_329 = arith.muli %arg1, %mul3A_328 : i32
    %add3A_330 = arith.constant 16 : i32
    %add3A_331 = arith.addi %add3A_330, %mul3A_329 : i32
    %add3A_332 = arith.constant 11 : i32
    %add3A_333 = arith.addi %add3A_331, %add3A_332 : i32
    %swap3A_334 = arith.constant 0 : index
    %swap3A_335 = arith.constant 0 : index
    %swap3A_336 = arith.index_cast %add3A_333 : i32 to index
    %swap3A_337 = arith.constant 0 : index
    %swap3A_338 = vector.load %arg9[%swap3A_334, %swap3A_335, %swap3A_336, %swap3A_337] : memref<1x128x80x256xf32, #tpu.memory_space<vmem>>, vector<1x128x1x256xf32>
    %swap3A_339 = vector.shape_cast %swap3A_338 : vector<1x128x1x256xf32> to vector<128x256xf32>
    %swap3A_340 = vector.shape_cast %add3A_327 : vector<128x256xf32> to vector<1x128x1x256xf32>
    tpu.vector_store %arg9[%swap3A_334, %swap3A_335, %swap3A_336, %swap3A_337], %swap3A_340 {strides = array<i32>} : memref<1x128x80x256xf32, #tpu.memory_space<vmem>>, vector<1x128x1x256xf32>,
    %get3A_341 = arith.constant 0 : index
    %get3A_342 = arith.constant 12 : index
    %get3A_343 = arith.constant 0 : index
    %get3A_344 = arith.constant 0 : index
    %get3A_345 = vector.load %arg2[%get3A_341, %get3A_342, %get3A_343, %get3A_344] : memref<1x16x192x375xf32, #tpu.memory_space<vmem>>, vector<1x1x192x375xf32>
    %get3A_346 = vector.shape_cast %get3A_345 : vector<1x1x192x375xf32> to vector<192x375xf32>
    %dot_general3A_347 = arith.constant dense<0.000000e+00> : vector<128x192xf32>
    %dot_general3A_348 = tpu.matmul %get3A_5, %get3A_346, %dot_general3A_347 {dimension_numbers = #tpu.dot_dimension_numbers<[0], [1], [1], [0], [0, 1, 1, 0], [], []>, transpose_lhs_hint = false} : vector<375x128xbf16>, vector<192x375xf32>, vector<128x192xf32> -> vector<128x192xf32>
    %get3A_349 = arith.constant 0 : index
    %get3A_350 = arith.constant 0 : index
    %get3A_351 = vector.load %arg5[%get3A_349, %get3A_350] : memref<192x256xbf16, #tpu.memory_space<vmem>>, vector<192x256xbf16>
    %dot_general3A_352 = arith.constant dense<0.000000e+00> : vector<128x256xf32>
    %dot_general3A_353 = tpu.matmul %dot_general3A_348, %get3A_351, %dot_general3A_352 {dimension_numbers = #tpu.dot_dimension_numbers<[1], [0], [0], [1], [0, 0, 1, 1], [], []>, transpose_lhs_hint = false} : vector<128x192xf32>, vector<192x256xbf16>, vector<128x256xf32> -> vector<128x256xf32>
    %add3A_354 = vector.broadcast %get3A_8 : vector<1x256xf32> to vector<128x256xf32>
    %add3A_355 = arith.addf %dot_general3A_353, %add3A_354 : vector<128x256xf32>
    %mul3A_356 = arith.constant 16 : i32
    %mul3A_357 = arith.muli %arg1, %mul3A_356 : i32
    %add3A_358 = arith.constant 16 : i32
    %add3A_359 = arith.addi %add3A_358, %mul3A_357 : i32
    %add3A_360 = arith.constant 12 : i32
    %add3A_361 = arith.addi %add3A_359, %add3A_360 : i32
    %swap3A_362 = arith.constant 0 : index
    %swap3A_363 = arith.constant 0 : index
    %swap3A_364 = arith.index_cast %add3A_361 : i32 to index
    %swap3A_365 = arith.constant 0 : index
    %swap3A_366 = vector.load %arg9[%swap3A_362, %swap3A_363, %swap3A_364, %swap3A_365] : memref<1x128x80x256xf32, #tpu.memory_space<vmem>>, vector<1x128x1x256xf32>
    %swap3A_367 = vector.shape_cast %swap3A_366 : vector<1x128x1x256xf32> to vector<128x256xf32>
    %swap3A_368 = vector.shape_cast %add3A_355 : vector<128x256xf32> to vector<1x128x1x256xf32>
    tpu.vector_store %arg9[%swap3A_362, %swap3A_363, %swap3A_364, %swap3A_365], %swap3A_368 {strides = array<i32>} : memref<1x128x80x256xf32, #tpu.memory_space<vmem>>, vector<1x128x1x256xf32>,
    %get3A_369 = arith.constant 0 : index
    %get3A_370 = arith.constant 13 : index
    %get3A_371 = arith.constant 0 : index
    %get3A_372 = arith.constant 0 : index
    %get3A_373 = vector.load %arg2[%get3A_369, %get3A_370, %get3A_371, %get3A_372] : memref<1x16x192x375xf32, #tpu.memory_space<vmem>>, vector<1x1x192x375xf32>
    %get3A_374 = vector.shape_cast %get3A_373 : vector<1x1x192x375xf32> to vector<192x375xf32>
    %dot_general3A_375 = arith.constant dense<0.000000e+00> : vector<128x192xf32>
    %dot_general3A_376 = tpu.matmul %get3A_5, %get3A_374, %dot_general3A_375 {dimension_numbers = #tpu.dot_dimension_numbers<[0], [1], [1], [0], [0, 1, 1, 0], [], []>, transpose_lhs_hint = false} : vector<375x128xbf16>, vector<192x375xf32>, vector<128x192xf32> -> vector<128x192xf32>
    %get3A_377 = arith.constant 0 : index
    %get3A_378 = arith.constant 0 : index
    %get3A_379 = vector.load %arg5[%get3A_377, %get3A_378] : memref<192x256xbf16, #tpu.memory_space<vmem>>, vector<192x256xbf16>
    %dot_general3A_380 = arith.constant dense<0.000000e+00> : vector<128x256xf32>
    %dot_general3A_381 = tpu.matmul %dot_general3A_376, %get3A_379, %dot_general3A_380 {dimension_numbers = #tpu.dot_dimension_numbers<[1], [0], [0], [1], [0, 0, 1, 1], [], []>, transpose_lhs_hint = false} : vector<128x192xf32>, vector<192x256xbf16>, vector<128x256xf32> -> vector<128x256xf32>
    %add3A_382 = vector.broadcast %get3A_8 : vector<1x256xf32> to vector<128x256xf32>
    %add3A_383 = arith.addf %dot_general3A_381, %add3A_382 : vector<128x256xf32>
    %mul3A_384 = arith.constant 16 : i32
    %mul3A_385 = arith.muli %arg1, %mul3A_384 : i32
    %add3A_386 = arith.constant 16 : i32
    %add3A_387 = arith.addi %add3A_386, %mul3A_385 : i32
    %add3A_388 = arith.constant 13 : i32
    %add3A_389 = arith.addi %add3A_387, %add3A_388 : i32
    %swap3A_390 = arith.constant 0 : index
    %swap3A_391 = arith.constant 0 : index
    %swap3A_392 = arith.index_cast %add3A_389 : i32 to index
    %swap3A_393 = arith.constant 0 : index
    %swap3A_394 = vector.load %arg9[%swap3A_390, %swap3A_391, %swap3A_392, %swap3A_393] : memref<1x128x80x256xf32, #tpu.memory_space<vmem>>, vector<1x128x1x256xf32>
    %swap3A_395 = vector.shape_cast %swap3A_394 : vector<1x128x1x256xf32> to vector<128x256xf32>
    %swap3A_396 = vector.shape_cast %add3A_383 : vector<128x256xf32> to vector<1x128x1x256xf32>
    tpu.vector_store %arg9[%swap3A_390, %swap3A_391, %swap3A_392, %swap3A_393], %swap3A_396 {strides = array<i32>} : memref<1x128x80x256xf32, #tpu.memory_space<vmem>>, vector<1x128x1x256xf32>,
    %get3A_397 = arith.constant 0 : index
    %get3A_398 = arith.constant 14 : index
    %get3A_399 = arith.constant 0 : index
    %get3A_400 = arith.constant 0 : index
    %get3A_401 = vector.load %arg2[%get3A_397, %get3A_398, %get3A_399, %get3A_400] : memref<1x16x192x375xf32, #tpu.memory_space<vmem>>, vector<1x1x192x375xf32>
    %get3A_402 = vector.shape_cast %get3A_401 : vector<1x1x192x375xf32> to vector<192x375xf32>
    %dot_general3A_403 = arith.constant dense<0.000000e+00> : vector<128x192xf32>
    %dot_general3A_404 = tpu.matmul %get3A_5, %get3A_402, %dot_general3A_403 {dimension_numbers = #tpu.dot_dimension_numbers<[0], [1], [1], [0], [0, 1, 1, 0], [], []>, transpose_lhs_hint = false} : vector<375x128xbf16>, vector<192x375xf32>, vector<128x192xf32> -> vector<128x192xf32>
    %get3A_405 = arith.constant 0 : index
    %get3A_406 = arith.constant 0 : index
    %get3A_407 = vector.load %arg5[%get3A_405, %get3A_406] : memref<192x256xbf16, #tpu.memory_space<vmem>>, vector<192x256xbf16>
    %dot_general3A_408 = arith.constant dense<0.000000e+00> : vector<128x256xf32>
    %dot_general3A_409 = tpu.matmul %dot_general3A_404, %get3A_407, %dot_general3A_408 {dimension_numbers = #tpu.dot_dimension_numbers<[1], [0], [0], [1], [0, 0, 1, 1], [], []>, transpose_lhs_hint = false} : vector<128x192xf32>, vector<192x256xbf16>, vector<128x256xf32> -> vector<128x256xf32>
    %add3A_410 = vector.broadcast %get3A_8 : vector<1x256xf32> to vector<128x256xf32>
    %add3A_411 = arith.addf %dot_general3A_409, %add3A_410 : vector<128x256xf32>
    %mul3A_412 = arith.constant 16 : i32
    %mul3A_413 = arith.muli %arg1, %mul3A_412 : i32
    %add3A_414 = arith.constant 16 : i32
    %add3A_415 = arith.addi %add3A_414, %mul3A_413 : i32
    %add3A_416 = arith.constant 14 : i32
    %add3A_417 = arith.addi %add3A_415, %add3A_416 : i32
    %swap3A_418 = arith.constant 0 : index
    %swap3A_419 = arith.constant 0 : index
    %swap3A_420 = arith.index_cast %add3A_417 : i32 to index
    %swap3A_421 = arith.constant 0 : index
    %swap3A_422 = vector.load %arg9[%swap3A_418, %swap3A_419, %swap3A_420, %swap3A_421] : memref<1x128x80x256xf32, #tpu.memory_space<vmem>>, vector<1x128x1x256xf32>
    %swap3A_423 = vector.shape_cast %swap3A_422 : vector<1x128x1x256xf32> to vector<128x256xf32>
    %swap3A_424 = vector.shape_cast %add3A_411 : vector<128x256xf32> to vector<1x128x1x256xf32>
    tpu.vector_store %arg9[%swap3A_418, %swap3A_419, %swap3A_420, %swap3A_421], %swap3A_424 {strides = array<i32>} : memref<1x128x80x256xf32, #tpu.memory_space<vmem>>, vector<1x128x1x256xf32>,
    %get3A_425 = arith.constant 0 : index
    %get3A_426 = arith.constant 15 : index
    %get3A_427 = arith.constant 0 : index
    %get3A_428 = arith.constant 0 : index
    %get3A_429 = vector.load %arg2[%get3A_425, %get3A_426, %get3A_427, %get3A_428] : memref<1x16x192x375xf32, #tpu.memory_space<vmem>>, vector<1x1x192x375xf32>
    %get3A_430 = vector.shape_cast %get3A_429 : vector<1x1x192x375xf32> to vector<192x375xf32>
    %dot_general3A_431 = arith.constant dense<0.000000e+00> : vector<128x192xf32>
    %dot_general3A_432 = tpu.matmul %get3A_5, %get3A_430, %dot_general3A_431 {dimension_numbers = #tpu.dot_dimension_numbers<[0], [1], [1], [0], [0, 1, 1, 0], [], []>, transpose_lhs_hint = false} : vector<375x128xbf16>, vector<192x375xf32>, vector<128x192xf32> -> vector<128x192xf32>
    %get3A_433 = arith.constant 0 : index
    %get3A_434 = arith.constant 0 : index
    %get3A_435 = vector.load %arg5[%get3A_433, %get3A_434] : memref<192x256xbf16, #tpu.memory_space<vmem>>, vector<192x256xbf16>
    %dot_general3A_436 = arith.constant dense<0.000000e+00> : vector<128x256xf32>
    %dot_general3A_437 = tpu.matmul %dot_general3A_432, %get3A_435, %dot_general3A_436 {dimension_numbers = #tpu.dot_dimension_numbers<[1], [0], [0], [1], [0, 0, 1, 1], [], []>, transpose_lhs_hint = false} : vector<128x192xf32>, vector<192x256xbf16>, vector<128x256xf32> -> vector<128x256xf32>
    %add3A_438 = vector.broadcast %get3A_8 : vector<1x256xf32> to vector<128x256xf32>
    %add3A_439 = arith.addf %dot_general3A_437, %add3A_438 : vector<128x256xf32>
    %mul3A_440 = arith.constant 16 : i32
    %mul3A_441 = arith.muli %arg1, %mul3A_440 : i32
    %add3A_442 = arith.constant 16 : i32
    %add3A_443 = arith.addi %add3A_442, %mul3A_441 : i32
    %add3A_444 = arith.constant 15 : i32
    %add3A_445 = arith.addi %add3A_443, %add3A_444 : i32
    %swap3A_446 = arith.constant 0 : index
    %swap3A_447 = arith.constant 0 : index
    %swap3A_448 = arith.index_cast %add3A_445 : i32 to index
    %swap3A_449 = arith.constant 0 : index
    %swap3A_450 = vector.load %arg9[%swap3A_446, %swap3A_447, %swap3A_448, %swap3A_449] : memref<1x128x80x256xf32, #tpu.memory_space<vmem>>, vector<1x128x1x256xf32>
    %swap3A_451 = vector.shape_cast %swap3A_450 : vector<1x128x1x256xf32> to vector<128x256xf32>
    %swap3A_452 = vector.shape_cast %add3A_439 : vector<128x256xf32> to vector<1x128x1x256xf32>
    tpu.vector_store %arg9[%swap3A_446, %swap3A_447, %swap3A_448, %swap3A_449], %swap3A_452 {strides = array<i32>} : memref<1x128x80x256xf32, #tpu.memory_space<vmem>>, vector<1x128x1x256xf32>,
    return
  }
  func.func @transform_0(%arg0: i32, %arg1: i32) -> (i32, i32, i32, i32) {
    %c0_i32 = arith.constant 0 : i32
    %c0_i32_0 = arith.constant 0 : i32
    %c0_i32_1 = arith.constant 0 : i32
    return %arg0, %arg1, %c0_i32, %c0_i32_0 : i32, i32, i32, i32
  }
  func.func @transform_1(%arg0: i32, %arg1: i32) -> (i32, i32, i32) {
    %c0_i32 = arith.constant 0 : i32
    %c0_i32_0 = arith.constant 0 : i32
    %c0_i32_1 = arith.constant 0 : i32
    return %arg0, %c0_i32, %c0_i32_0 : i32, i32, i32
  }
  func.func @transform_2(%arg0: i32, %arg1: i32) -> (i32, i32, i32, i32) {
    %c0_i32 = arith.constant 0 : i32
    %c0_i32_0 = arith.constant 0 : i32
    %c0_i32_1 = arith.constant 0 : i32
    %c0_i32_2 = arith.constant 0 : i32
    return %arg0, %c0_i32, %c0_i32_0, %c0_i32_1 : i32, i32, i32, i32
  }
  func.func @transform_3(%arg0: i32, %arg1: i32) -> (i32, i32) {
    %c0_i32 = arith.constant 0 : i32
    %c0_i32_0 = arith.constant 0 : i32
    %c0_i32_1 = arith.constant 0 : i32
    return %c0_i32, %c0_i32_0 : i32, i32
  }
  func.func @transform_4(%arg0: i32, %arg1: i32) -> (i32, i32) {
    %c0_i32 = arith.constant 0 : i32
    %c0_i32_0 = arith.constant 0 : i32
    %c0_i32_1 = arith.constant 0 : i32
    return %c0_i32, %c0_i32_0 : i32, i32
  }
  func.func @transform_5(%arg0: i32, %arg1: i32) -> (i32, i32) {
    %c0_i32 = arith.constant 0 : i32
    %c0_i32_0 = arith.constant 0 : i32
    %c0_i32_1 = arith.constant 0 : i32
    return %c0_i32, %c0_i32_0 : i32, i32
  }
  func.func @transform_6(%arg0: i32, %arg1: i32) -> (i32, i32) {
    %c0_i32 = arith.constant 0 : i32
    %c0_i32_0 = arith.constant 0 : i32
    %c0_i32_1 = arith.constant 0 : i32
    return %c0_i32, %c0_i32_0 : i32, i32
  }
  func.func @transform_7(%arg0: i32, %arg1: i32) -> (i32, i32, i32, i32) {
    %c0_i32 = arith.constant 0 : i32
    %c0_i32_0 = arith.constant 0 : i32
    %c0_i32_1 = arith.constant 0 : i32
    %c0_i32_2 = arith.constant 0 : i32
    return %arg0, %c0_i32, %c0_i32_0, %c0_i32_1 : i32, i32, i32, i32
  }
}

</mosaic_0001>

<sc_bundles>
// kernel: kernel.4.cloned.1.call-start
scs
__scs_entry_jumppad:
0x0: {  	(pc) =	sbr.rel $0x88, $3  }
0x1: {  	(tag) =	ssettag $0x0;
	lr =	simm.s32 $0x1  }
0x2: {  	[smem:$0x3F9A] =	sst lr;
	_ =	strace $0xD0000000  }
0x3: {  	_ = 	snop  }
0x4: {  	_ = 	snop  }
0x5: {  	_ = 	snop  }
0x6: {  	_ = 	snop  }
0x7: {  	_ = 	snop  }
__scs_overlays_trampoline_lowered:
0x8: {  	[smem:$0x3FA9] =	sst s0  }
0x9: {  	[smem:$0x3FAA] =	sst s1  }
0xa: {  	[smem:$0x3FAB] =	sst s2  }
0xb: {  	[smem:$0x3FAC] =	sst s3  }
0xc: {  	[smem:$0x3FAD] =	sst s4  }
0xd: {  	[smem:$0x3FAE] =	sst s5  }
0xe: {  	[smem:$0x3FAF] =	sst s6  }
0xf: {  	[smem:$0x3FB0] =	sst s7  }
0x10: {  	[smem:$0x3FB1] =	sst s8  }
0x11: {  	[smem:$0x3FB2] =	sst s9;
	s0 =	simm.s32 @!p0 $0x0  }
0x12: {  	s1 =	sld [smem:$0x3F98];
	s0 =	simm.s32 @p0 $0x1  }
0x13: {  	[smem:$0x3FB3] =	sst s0;
	s0 =	simm.s32 @!p1 $0x0  }
0x14: {  	s2 =	sld [smem:$0x3F97];
	s0 =	simm.s32 @p1 $0x1  }
0x15: {  	[smem:$0x3FB4] =	sst s0;
	s0 =	simm.s32 @!p2 $0x0  }
0x16: {  	s3 =	sld [smem:$0x3FDB];
	s0 =	simm.s32 @p2 $0x1  }
0x17: {  	s4 =	simm.s32 $0x1BF5;
	[smem:$0x3FB6] =	sst s0  }
0x18: {  	s0 =	sld [smem:$0x3F99];
	_ =	swait.ge [sflag:s4], $0x0  }
0x19: {  	s7 =	sld [smem:$0x3F9A]  }
0x1a: {  	s8 =	sadd.s32 $0xFFFFE003, lr  }
0x1b: {  	s9 =	sadd.s32 $0xFFFFFEF7, lr;
	s5 =	simm.s32 $0xFFFFFFFF;
	p2 =	slt.u32 s8, $0xFFFFF086  }
0x1c: {  	p1 =	slt.u32 s9, $0xF7A;
	s5 =	simm.s32 @!p2 $0x0  }
0x1d: {  	s5 =	simm.s32 @p1 $0x1;
	p0 =	seq.s32 s7, s2  }
0x1e: {  	s7 =	smul.u32 @!p0 $0xF7A, s2;
	p2 =	seq.s32 @!p0 s5, $0x0  }
0x1f: {  	s9 =	smul.u32 $0xF7A, s1;
	s8 =	simm.s32 @!p0 $0x1BF5;
	p2 =	por !p2, p0  }
0x20: {  	[sflag:s8] =	ssyncset.s32 @!p0 $0xFFFFF086;
	s6 =	sadd.s32 @!p0 s3, s7;
	s7 =	simm.s32 @!p0 $0x108  }
0x21: {  	s3 =	sadd.s32 s3, s9;
	s6 =	sadd.s32 @!p0 $0x88, s6;
	s7 =	simm.s32 @p2 $0x1082  }
0x22: {  	[simem:s7], [sflag:s8] =	dma.local @!p0 [hbm:s6], $0xF7A  }
0x23: {  	s9 =	sor.u32 $0xD0000000, s2;
	s6 =	simm.s32 $0x108;
	_ =	swait.ge @!p0 [sflag:s8], $0x0  }
0x24: {  	s3 =	sadd.s32 $0x88, s3;
	s6 =	simm.s32 @!p1 $0x1082;
	[sflag:s4] =	ssyncset.s32 $0xFFFFF086  }
0x25: {  	[simem:s6], [sflag:s4] =	dma.local [hbm:s3], $0xF7A  }
0x26: {  	[smem:$0x3F9A] =	sst s1;
	(tag) =	ssettag s2;
	_ =	strace s9  }
0x27: {  	s1 =	sld [smem:$0x3FAA]  }
0x28: {  	s2 =	sld [smem:$0x3FAB]  }
0x29: {  	s4 =	sld [smem:$0x3FAD]  }
0x2a: {  	p0 =	seq.s32 s5, $0x0;
	s5 =	sld [smem:$0x3FAE]  }
0x2b: {  	s6 =	sld [smem:$0x3FAF]  }
0x2c: {  	s7 =	sld [smem:$0x3FB0]  }
0x2d: {  	s3 =	simm.s32 $0x108;
	s8 =	sld [smem:$0x3FB1]  }
0x2e: {  	s3 =	simm.s32 @!p0 $0x1082;
	s9 =	sld [smem:$0x3FB2]  }
0x2f: {  	lr =	sadd.s32 s0, s3;
	s0 =	sld [smem:$0x3FA9]  }
0x30: {  	s3 =	sld [smem:$0x3FAC]  }
0x31: {  	[smem:$0x3FB5] =	sst s10  }
0x32: {  	s10 =	sld [smem:$0x3FB3];
	_ =	sdelay $0x3  }
0x33: {  	p0 =	seq.s32 s10, $0x1;
	s10 =	sld [smem:$0x3FB5];
	_ =	sdelay $0x3  }
0x34: {  	[smem:$0x3FB5] =	sst s10  }
0x35: {  	s10 =	sld [smem:$0x3FB4];
	_ =	sdelay $0x3  }
0x36: {  	p1 =	seq.s32 s10, $0x1;
	s10 =	sld [smem:$0x3FB5];
	_ =	sdelay $0x3  }
0x37: {  	[smem:$0x3FB5] =	sst s10  }
0x38: {  	s10 =	sld [smem:$0x3FB6]  }
0x39: {  	_ = 	snop;
	(pc) =	sbr.ind lr, $3  }
0x3a: {  	_ = 	snop  }
0x3b: {  	_ = 	snop  }
0x3c: {  	p2 =	seq.s32 s10, $0x1;
	s10 =	sld [smem:$0x3FB5]  }
0x3d: {  	_ =	shalt  }
0x3e: {  	_ =	shalt  }
0x3f: {  	_ =	shalt  }
0x40: {  	_ =	shalt  }
0x41: {  	_ =	shalt  }
0x42: {  	_ =	shalt  }
0x43: {  	_ =	shalt  }
0x44: {  	_ =	shalt  }
0x45: {  	_ =	shalt  }
0x46: {  	_ =	shalt  }
0x47: {  	_ =	shalt  }
0x48: {  	_ =	shalt  }
0x49: {  	_ =	shalt  }
0x4a: {  	_ =	shalt  }
0x4b: {  	_ =	shalt  }
0x4c: {  	_ =	shalt  }
0x4d: {  	_ =	shalt  }
0x4e: {  	_ =	shalt  }
0x4f: {  	_ =	shalt  }
0x50: {  	_ =	shalt  }
0x51: {  	_ =	shalt  }
0x52: {  	_ =	shalt  }
0x53: {  	_ =	shalt  }
0x54: {  	_ =	shalt  }
0x55: {  	_ =	shalt  }
0x56: {  	_ =	shalt  }
0x57: {  	_ =	shalt  }
0x58: {  	_ =	shalt  }
0x59: {  	_ =	shalt  }
0x5a: {  	_ =	shalt  }
0x5b: {  	_ =	shalt  }
0x5c: {  	_ =	shalt  }
0x5d: {  	_ =	shalt  }
0x5e: {  	_ =	shalt  }
0x5f: {  	_ =	shalt  }
0x60: {  	_ =	shalt  }
0x61: {  	_ =	shalt  }
0x62: {  	_ =	shalt  }
0x63: {  	_ =	shalt  }
0x64: {  	_ =	shalt  }
0x65: {  	_ =	shalt  }
0x66: {  	_ =	shalt  }
0x67: {  	_ =	shalt  }
0x68: {  	_ =	shalt  }
0x69: {  	_ =	shalt  }
0x6a: {  	_ =	shalt  }
0x6b: {  	_ =	shalt  }
0x6c: {  	_ =	shalt  }
0x6d: {  	_ =	shalt  }
0x6e: {  	_ =	shalt  }
0x6f: {  	_ =	shalt  }
0x70: {  	_ =	shalt  }
0x71: {  	_ =	shalt  }
0x72: {  	_ =	shalt  }
0x73: {  	_ =	shalt  }
0x74: {  	_ =	shalt  }
0x75: {  	_ =	shalt  }
0x76: {  	_ =	shalt  }
0x77: {  	_ =	shalt  }
0x78: {  	_ =	shalt  }
0x79: {  	_ =	shalt  }
0x7a: {  	_ =	shalt  }
0x7b: {  	_ =	shalt  }
0x7c: {  	_ =	shalt  }
0x7d: {  	_ =	shalt  }
0x7e: {  	_ =	shalt  }
0x7f: {  	_ =	shalt  }
0x80: {  	_ =	shalt  }
0x81: {  	_ =	shalt  }
0x82: {  	_ =	shalt  }
0x83: {  	_ =	shalt  }
0x84: {  	_ =	shalt  }
0x85: {  	_ =	shalt  }
0x86: {  	_ =	shalt  }
0x87: {  	_ =	shalt  }
.Lfunc_end0:
.L_simem_size_0:
called_computation_lowered:
.L_overlay_start_0:
0x88: {  	s2 =	sld [smem:$0x3FD9]  }
0x89: {  	s3 =	sld [smem:$0x3FFE];
	_ =	sdelay $0x1  }
0x8a: {  	s1 =	srdreg.scid  }
0x8b: {  	s0 =	sand.u32 $0x1, s1  }
0x8c: {  	s18 =	sshll.u32 s0, $0xA;
	s2 =	sadd.s32 s3, s2  }
0x8d: {  	s2 =	sadd.s32 s2, s18  }
0x8e: {  	[smem:$0x3FC1] =	sst s2  }
0x8f: {  	_ = 	snop  }
0x90: {  	s2 =	sld [smem:$0x3FC8]  }
0x91: {  	s19 =	sld [smem:$0x3FD0];
	(tm) =	ssettm $0x1  }
0x92: {  	s4 =	sld [smem:$0x3FFB];
	_ =	sdelay $0x3  }
0x93: {  	_ =	strace s4  }
0x94: {  	s4 =	sld [smem:$0x3FFC];
	_ =	sdelay $0x3  }
0x95: {  	_ =	strace s4  }
0x96: {  	s4 =	sld [smem:$0x3FFD];
	_ =	sdelay $0x3  }
0x97: {  	_ =	strace s4  }
0x98: {  	_ =	strace $0x8FFFFFFF  }
0x99: {  	s20 =	sld [smem:$0x3FDB];
	_ =	sdelay $0x1  }
0x9a: {  	s5 =	simm.s32 $_scs_section_size  }
0x9b: {  	s6 =	simm.s32 $_size__tile_overlayer_lowered;
	s7 =	simm.s32 $_tile_overlayer_lowered  }
0x9c: {  	s23 =	simm.s32 $0x1BFF;
	s22 =	sshll.u32 s7, $0x1;
	s4 =	sadd.s32 s5, s20  }
0x9d: {  	s8 =	simm.s32 $0x0;
	s21 =	sshll.u32 s6, $0x1;
	s6 =	sadd.s32 s22, s4  }
0x9e: {  	[timem:s8], [sflag:s23] =	dma.local [hbm:s6], s21  }
0x9f: {  	_ =	swait.ge [sflag:s23], s21  }
0xa0: {  	s5 =	ssub.s32 $0x0, s21;
	[sflag:s23] =	ssyncset.done $0x0  }
0xa1: {  	[sflag:s23] =	ssyncadd.s32 s5;
	_ =	sdelay $0x1  }
0xa2: {  	s24 =	simm.s32 $0x1B8B  }
0xa3: {  	_ =	swait.ge [sflag:s24], $0x1  }
0xa4: {  	[sflag:s24] =	ssyncset.done $0x0  }
0xa5: {  	s25 =	simm.s32 $0x1B8E;
	[sflag:s24] =	ssyncadd.s32 $0xFFFFFFFF  }
0xa6: {  	s26 =	simm.s32 $execute0_lowered;
	[smem:$0x3FD2] =	sst s25  }
0xa7: {  	s5 =	sshll.u32 s26, $0x1;
	_ =	strace $0x80000046;
	[dreg:$0x1] =	wrdreg $0xFFFFFFFF  }
0xa8: {  	s28 =	simm.s32 $_size_execute0_lowered;
	s4 =	sadd.s32 s4, s5;
	[dreg:$0x0] =	wrdreg $0x0  }
0xa9: {  	s5 =	sshll.u32 s28, $0x1;
	[dreg:$0x2] =	wrdreg s4  }
0xaa: {  	[dreg:$0x3] =	wrdreg s5  }
0xab: {  	[dreg:$0x4] =	wrdreg $0xC0  }
0xac: {  	_ =	task [dreg:s8], $0x5FFFF  }
0xad: {  	[dreg:$0x1] =	wrdreg $0xFFFFFFFF  }
0xae: {  	[dreg:$0x0] =	wrdreg $0x60  }
0xaf: {  	[dreg:$0x2] =	wrdreg s2  }
0xb0: {  	[dreg:$0x3] =	wrdreg s19  }
0xb1: {  	[dreg:$0x4] =	wrdreg $0x9  }
0xb2: {  	_ =	task.clear_ibuf [dreg:s8], $0x5FFFF;
	_ =	strace $0x90000046  }
0xb3: {  	s29 =	simm.s32 $0x9;
	_ =	strace $0x80000048  }
0xb4: {  	_ =	swait.ge [sflag:s29], $0x1  }
0xb5: {  	[sflag:s29] =	ssyncadd.s32 $0xFFFFFFFF  }
0xb6: {  	_ =	strace $0x90000048  }
0xb7: {  	_ =	sfence  }
0xb8: {  	s30 =	sld [smem:$0x0];
	_ =	sdelay $0x2  }
0xb9: {  	s31 =	sshll.u32 s1, $0xD;
	s1 =	sshrl.u32 s1, $0x2  }
0xba: {  	s3 =	sand.u32 $0x4000, s31;
	s1 =	sadd.s32 s1, s30  }
0xbb: {  	s0 =	sor.u32 s3, s0;
	s1 =	sshll.u32 s1, $0x11  }
0xbc: {  	s0 =	sor.u32 s1, s0  }
0xbd: {  	s0 =	sadd.s32 $0x8F2B, s0  }
0xbe: {  	[sflag:s0] =	ssyncadd.remote.s32 $0x1  }
0xbf: {  	_ =	sfence.sel $0xFFFF  }
0xc0: {  	[dreg:$0x0] =	wrdreg $0xFFFFFFFF;
	(pc) =	sbr.abs _section_cstart, $3  }
0xc1: {  	[dreg:$0x1] =	wrdreg $0xFFFFFFFF  }
0xc2: {  	_ =	task.clear_ibuf [dreg:s8], $0x2FFFF;
	_ =	strace $0x9FFFFFFF  }
0xc3: {  	(tm) =	ssettm $0x7FFFFFFF  }
tec
execute0_lowered:
.L_overlay_start_1:
0x0: {  	(tag) =	ssettag $0x1  }
0x1: {  	s0 =	stileid.u32  }
0x2: {  	s3 =	rddreg [dreg:$0x0];
	s1 =	srdreg.scid  }
0x3: {  	s4 =	rddreg [dreg:$0x1];
	s2 =	sshll.u32 s0, $0x1;
	s5 =	sand.u32 $0x1, s1  }
0x4: {  	s1 =	rddreg [dreg:$0x2];
	s8 =	sshrl.u32 s0, $0x1;
	s6 =	sand.u32 $0x2, s2  }
0x5: {  	s2 =	simm.s32 $0x0;
	s10 =	sshll.u32 s8, $0x7;
	s6 =	sor.u32 s5, s6  }
0x6: {  	s8 =	sshll.u32 s8, $0x4;
	[smem:$0x7FF] =	sst s2;
	s7 =	smul.u32 $0x5E, s6  }
0x7: {  	s5 =	ssub.s32 $0x2, s5;
	s3 =	sadd.s32 s3, s8;
	s6 =	smul.u32 $0x17800, s6  }
0x8: {  	v2 =	vlaneseq.u32;
	v3 =	vimm.f32 $0.0e+00;
	v4 =	vimm.f32 $1.000000000e+00;
	s8 =	simm.s32 $0x400;
	_ =	strace $0x80000047;
	s31 =	sshrl.u32 s5, $0x1  }
0x9: {  	v5 =	vor.u32 $0x10, v2;
	v6 =	vor.u32 $0x20, v2;
	v7 =	vor.u32 $0x30, v2;
	s5 =	ssub.s32 s5, s31;
	s9 =	sadd.s32 $0x5E, s7;
	s6 =	sor.u32 s10, s6  }
0xa: {  	v8 =	vor.u32 $0x40, v2;
	v9 =	vor.u32 $0x50, v2;
	v0 =	vmov s7;
	s5 =	smax.u32 s5, $0x1;
	s7 =	simm.s32 $0x80;
	s6 =	sshrl.u32 s6, $0x3  }
0xb: {  	v10 =	vor.u32 $0x60, v2;
	v11 =	vor.u32 $0x70, v2;
	v1 =	vmov s9;
	s9 =	simm.s32 $0x0;
	s4 =	sadd.s32 s4, s6;
	s6 =	simm.s32 $0x1  }
.LBB2_1:
0xc: {  	[tilespmem:s2], [sflag:$0x1] =	stream.linear.gather [hbm4b:s3+s2], $0x80, $0x38;
	[tilespmem:$0x2F80] =	vst v63  }
0xd: {  	_ =	swait.ge [sflag:s6], $0x80  }
0xe: {  	[sflag:s6] =	ssyncset.done $0x0  }
0xf: {  	[sflag:s6] =	ssyncadd.s32 $0xFFFFFF80  }
0x10: {  	v12 =	vld [tilespmem:$0x0]  }
0x11: {  	v13 =	vld [tilespmem:$0x10]  }
0x12: {  	v14 =	vld [tilespmem:$0x20]  }
0x13: {  	v15 =	vld [tilespmem:$0x30]  }
0x14: {  	v16 =	vld [tilespmem:$0x40]  }
0x15: {  	v17 =	vld [tilespmem:$0x50]  }
0x16: {  	v18 =	vld [tilespmem:$0x60]  }
0x17: {  	v19 =	vld [tilespmem:$0x70]  }
0x18: {  	v12 =	vcvt.s32.f32 v12  }
0x19: {  	v13 =	vcvt.s32.f32 v13;
	v14 =	vcvt.s32.f32 v14  }
0x1a: {  	v15 =	vcvt.s32.f32 v15;
	v16 =	vcvt.s32.f32 v16  }
0x1b: {  	v17 =	vcvt.s32.f32 v17;
	v18 =	vcvt.s32.f32 v18  }
0x1c: {  	v19 =	vcvt.s32.f32 v19;
	v12 =	vmul.f32 $1.250000000e-01, v12  }
0x1d: {  	v13 =	vmul.f32 $1.250000000e-01, v13;
	v14 =	vmul.f32 $1.250000000e-01, v14  }
0x1e: {  	v15 =	vmul.f32 $1.250000000e-01, v15;
	v16 =	vmul.f32 $1.250000000e-01, v16  }
0x1f: {  	v17 =	vmul.f32 $1.250000000e-01, v17;
	v18 =	vmul.f32 $1.250000000e-01, v18  }
0x20: {  	v19 =	vmul.f32 $1.250000000e-01, v19;
	v12 =	vtrunc.f32 v12  }
0x21: {  	v13 =	vtrunc.f32 v13;
	v14 =	vtrunc.f32 v14  }
0x22: {  	v15 =	vtrunc.f32 v15;
	v16 =	vtrunc.f32 v16  }
0x23: {  	v17 =	vtrunc.f32 v17;
	v55 =	vtrunc.f32 v18  }
0x24: {  	v57 =	vtrunc.f32 v19;
	v12 =	vcvt.f32.s32 v12  }
0x25: {  	v13 =	vcvt.f32.s32 v13;
	v14 =	vcvt.f32.s32 v14  }
0x26: {  	v15 =	vcvt.f32.s32 v15;
	v16 =	vcvt.f32.s32 v16  }
0x27: {  	v54 =	vcvt.f32.s32 v17;
	v56 =	vcvt.f32.s32 v55;
	vm0 =	vgt.s32 v12, $0x0  }
0x28: {  	v59 =	vcvt.f32.s32 v57;
	vm9 =	vgt.s32 v13, $0x0;
	v12 =	vnsel vm0, $0x0, v12  }
0x29: {  	vm10 =	vgt.s32 v14, $0x0;
	v13 =	vnsel vm9, $0x0, v13;
	v12 =	vmin.u32 v12, $0x176  }
0x2a: {  	vm11 =	vgt.s32 v15, $0x0;
	v14 =	vnsel vm10, $0x0, v14;
	v13 =	vmin.u32 v13, $0x176;
	[tilespmem:$0x0] =	vst v12  }
0x2b: {  	vm12 =	vgt.s32 v16, $0x0;
	v15 =	vnsel vm11, $0x0, v15;
	v14 =	vmin.u32 v14, $0x176;
	[tilespmem:$0x10] =	vst v13  }
0x2c: {  	vm13 =	vgt.s32 v54, $0x0;
	v58 =	vnsel vm12, $0x0, v16;
	v53 =	vmin.u32 v15, $0x176;
	[tilespmem:$0x20] =	vst v14  }
0x2d: {  	vm15 =	vgt.s32 v59, $0x0;
	v61 =	vnsel vm13, $0x0, v54;
	v60 =	vmin.u32 v58, $0x176;
	[tilespmem:$0x30] =	vst v53  }
0x2e: {  	vm14 =	vgt.s32 v56, $0x0;
	v63 =	vnsel vm15, $0x0, v59;
	v62 =	vmin.u32 v61, $0x176;
	[tilespmem:$0x40] =	vst v60  }
0x2f: {  	v13 =	vnsel vm14, $0x0, v56;
	[tilespmem:$0x50] =	vst v62;
	v12 =	vmin.u32 v63, $0x176  }
0x30: {  	v13 =	vmin.u32 v13, $0x176;
	[tilespmem:$0x70] =	vst v12  }
0x31: {  	s10 =	simm.s32 $0x40;
	s11 =	simm.s32 $0x0;
	[tilespmem:$0x60] =	vst v13  }
.LBB2_2:
0x32: {  	p0 =	sne.s32 s10, $0xBBC0;
	[tilespmem:s11+$0x80] =	vst v3;
	s11 =	smov.u32 s10;
	s10 =	sadd.s32 $0x40, s10  }
.Ltmp0:
0x33: {  	(pc) =	sbr.rel @p0 .LBB2_2-.Ltmp0, $2  }
0x34: {  	_ =	sdelay $0x2  }
0x35: {  	s11 =	sshra.s32 s11, $0x2  }
0x36: {  	[tilespmem:s11+$0x80] =	vst v3  }
0x37: {  	v12 =	vld [tilespmem:$0x0];
	_ =	sdelay $0x4  }
0x38: {  	v13 =	vsub.s32 v12, v0  }
0x39: {  	vm0 =	vgt.s32 v13, $0x0  }
0x3a: {  	v13 =	vnsel vm0, $0x0, v13  }
0x3b: {  	vm6 =	vge.s32 v12, v0;
	vm1 =	vlt.s32 v12, v1;
	v13 =	vmin.u32 v13, $0x5D  }
0x3c: {  	vm0 =	vmand vm6, vm1;
	v49 =	vshll.u32 v13, $0x7  }
0x3d: {  	v12 =	vor.u32 v2, v49;
	_ =	sdelay $0x4  }
0x3e: {  	[tilespmem:v12+s7+$0x0] =	vst.idx.msk vm0, v4  }
0x3f: {  	v12 =	vld [tilespmem:$0x10];
	_ =	sdelay $0x4  }
0x40: {  	v50 =	vsub.s32 v12, v0  }
0x41: {  	vm7 =	vgt.s32 v50, $0x0  }
0x42: {  	v13 =	vnsel vm7, $0x0, v50  }
0x43: {  	vm8 =	vge.s32 v12, v0;
	vm9 =	vlt.s32 v12, v1;
	v13 =	vmin.u32 v13, $0x5D  }
0x44: {  	vm0 =	vmand vm8, vm9;
	v51 =	vshll.u32 v13, $0x7  }
0x45: {  	v12 =	vor.u32 v5, v51;
	_ =	sdelay $0x4  }
0x46: {  	[tilespmem:v12+s7+$0x0] =	vst.idx.msk vm0, v4  }
0x47: {  	v12 =	vld [tilespmem:$0x20];
	_ =	sdelay $0x4  }
0x48: {  	v52 =	vsub.s32 v12, v0  }
0x49: {  	vm10 =	vgt.s32 v52, $0x0  }
0x4a: {  	v13 =	vnsel vm10, $0x0, v52  }
0x4b: {  	vm11 =	vge.s32 v12, v0;
	vm12 =	vlt.s32 v12, v1;
	v13 =	vmin.u32 v13, $0x5D  }
0x4c: {  	vm0 =	vmand vm11, vm12;
	v53 =	vshll.u32 v13, $0x7  }
0x4d: {  	v12 =	vor.u32 v6, v53;
	_ =	sdelay $0x4  }
0x4e: {  	[tilespmem:v12+s7+$0x0] =	vst.idx.msk vm0, v4  }
0x4f: {  	v12 =	vld [tilespmem:$0x30];
	_ =	sdelay $0x4  }
0x50: {  	v54 =	vsub.s32 v12, v0  }
0x51: {  	vm13 =	vgt.s32 v54, $0x0  }
0x52: {  	v13 =	vnsel vm13, $0x0, v54  }
0x53: {  	vm14 =	vge.s32 v12, v0;
	vm15 =	vlt.s32 v12, v1;
	v13 =	vmin.u32 v13, $0x5D  }
0x54: {  	vm0 =	vmand vm14, vm15;
	v55 =	vshll.u32 v13, $0x7  }
0x55: {  	v12 =	vor.u32 v7, v55;
	_ =	sdelay $0x4  }
0x56: {  	[tilespmem:v12+s7+$0x0] =	vst.idx.msk vm0, v4  }
0x57: {  	v12 =	vld [tilespmem:$0x40];
	_ =	sdelay $0x4  }
0x58: {  	v56 =	vsub.s32 v12, v0  }
0x59: {  	vm4 =	vgt.s32 v56, $0x0  }
0x5a: {  	v13 =	vnsel vm4, $0x0, v56  }
0x5b: {  	vm5 =	vge.s32 v12, v0;
	vm6 =	vlt.s32 v12, v1;
	v13 =	vmin.u32 v13, $0x5D  }
0x5c: {  	vm0 =	vmand vm5, vm6;
	v57 =	vshll.u32 v13, $0x7  }
0x5d: {  	v12 =	vor.u32 v8, v57;
	_ =	sdelay $0x4  }
0x5e: {  	[tilespmem:v12+s7+$0x0] =	vst.idx.msk vm0, v4  }
0x5f: {  	v12 =	vld [tilespmem:$0x50];
	_ =	sdelay $0x4  }
0x60: {  	v58 =	vsub.s32 v12, v0  }
0x61: {  	vm7 =	vgt.s32 v58, $0x0  }
0x62: {  	v13 =	vnsel vm7, $0x0, v58  }
0x63: {  	vm8 =	vge.s32 v12, v0;
	vm9 =	vlt.s32 v12, v1;
	v13 =	vmin.u32 v13, $0x5D  }
0x64: {  	vm0 =	vmand vm8, vm9;
	v59 =	vshll.u32 v13, $0x7  }
0x65: {  	v12 =	vor.u32 v9, v59;
	_ =	sdelay $0x4  }
0x66: {  	[tilespmem:v12+s7+$0x0] =	vst.idx.msk vm0, v4  }
0x67: {  	v12 =	vld [tilespmem:$0x60];
	_ =	sdelay $0x4  }
0x68: {  	v60 =	vsub.s32 v12, v0  }
0x69: {  	vm10 =	vgt.s32 v60, $0x0  }
0x6a: {  	v13 =	vnsel vm10, $0x0, v60  }
0x6b: {  	vm11 =	vge.s32 v12, v0;
	vm12 =	vlt.s32 v12, v1;
	v13 =	vmin.u32 v13, $0x5D  }
0x6c: {  	vm0 =	vmand vm11, vm12;
	v61 =	vshll.u32 v13, $0x7  }
0x6d: {  	v12 =	vor.u32 v10, v61;
	_ =	sdelay $0x4  }
0x6e: {  	[tilespmem:v12+s7+$0x0] =	vst.idx.msk vm0, v4  }
0x6f: {  	v12 =	vld [tilespmem:$0x70];
	_ =	sdelay $0x4  }
0x70: {  	v62 =	vsub.s32 v12, v0  }
0x71: {  	vm13 =	vgt.s32 v62, $0x0  }
0x72: {  	v13 =	vnsel vm13, $0x0, v62  }
0x73: {  	vm14 =	vge.s32 v12, v0;
	vm15 =	vlt.s32 v12, v1;
	v13 =	vmin.u32 v13, $0x5D  }
0x74: {  	vm0 =	vmand vm14, vm15;
	v63 =	vshll.u32 v13, $0x7  }
0x75: {  	v12 =	vor.u32 v11, v63;
	_ =	sdelay $0x2  }
0x76: {  	s9 =	sadd.s32 $0x1, s9  }
0x77: {  	p0 =	sne.s32 s9, s5  }
.Ltmp1:
0x78: {  	[tilespmem:v12+s7+$0x0] =	vst.idx.msk vm0, v4;
	(pc) =	sbr.rel @p0 .LBB2_1-.Ltmp1, $4  }
0x79: {  	[hbm4b:s4+s7] =	stream.strided.scatter [tilespmem:s7], [sflag:$0x1], $0x2F00, s8, s7, $0x38;
	[tilespmem:$0x2F80] =	vst v63  }
0x7a: {  	_ =	swait.ge [sflag:s6], $0x2F00  }
0x7b: {  	[sflag:s6] =	ssyncset.done $0x0  }
0x7c: {  	[sflag:s6] =	ssyncadd.s32 $0xFFFFD100  }
0x7d: {  	_ =	sfence.sel $0x180000  }
0x7e: {  	[bflag:$0x0] =	sbarrier.arrive $0xFFFF  }
0x7f: {  	p0 =	sne.s32 s0, $0x0;
	_ =	strace $0x90000047  }
0x80: {  	s0 =	sadd.s32 @!p0 $0x100000, s1;
	[bflag:$0x2] =	sbarrier.arrive $0xFFFF  }
0x81: {  	[sflag:s0] =	ssyncadd.tile.s32 @!p0 $0x1;
	_ =	shalt  }
.Lfunc_end2:
_tile_overlayer_lowered:
.L_overlay_start_2:
0x82: {  	(tag) =	ssettag $0x2  }
0x83: {  	s0 =	rddreg [dreg:$0x0];
	s2 =	stileid.u32  }
0x84: {  	s1 =	rddreg [dreg:$0x1];
	p0 =	sne.s32 s2, $0x0  }
0x85: {  	s3 =	rddreg [dreg:$0x2];
	[bflag:$0x3] =	sbarrier.arrive $0xFFFF;
	s2 =	simm.s32 @!p0 $0x1C01  }
0x86: {  	[timem:s3], [sflag:s2] =	dma.local @!p0 [hbm:s0], s1  }
0x87: {  	s0 =	simm.s32 @!p0 $0x1  }
0x88: {  	_ =	swait.ge @!p0 [sflag:s0], s1  }
0x89: {  	s1 =	ssub.s32 @!p0 $0x0, s1;
	[sflag:s0] =	ssyncset.done @!p0 $0x0  }
0x8a: {  	[sflag:s0] =	ssyncadd.s32 @!p0 s1  }
0x8b: {  	[bflag:$0x3] =	sbarrier.arrive $0xFFFF  }
0x8c: {  	_ =	shalt  }

</sc_bundles>
